<compile_context>
chip_gen: v7x
topology: tpu7x:2x2x1
jax: 0.10.2.dev20260603
libtpu: 0.0.44.dev20260713+nightly
codegen_flags: <defaults>
</compile_context>

<pallas_src>
import functools

import jax
import jax.numpy as jnp
from jax import lax
from jax.experimental import pallas as pl
from jax.experimental.pallas import tpu as pltpu
from jax.experimental.pallas import tpu_sc as plsc

N_NODES = 10000
N_EDGES = 160000
D = 256
HALF = 128

NS = 16
BATCH = 125
ROWS_PER_TILE = N_EDGES // NS // BATCH
ROWS_TOTAL = N_EDGES // BATCH
DBLK = 16
NBLK = ROWS_PER_TILE // DBLK
ZROWS = 624
ZTAIL = N_NODES - NS * ZROWS


def _emb_body(x_ref, we_ref, be_ref, wc_ref, o0_ref, o1_ref):
    wc = we_ref[...] @ wc_ref[...]
    bc = be_ref[...] @ wc_ref[...]
    t = x_ref[...] @ wc + bc
    o0_ref[...] = t[:, :HALF]
    o1_ref[...] = t[:, HALF:]


def _make_table(x, W_emb, b_emb2, W_conv):
    R = 2000
    nb = N_NODES // R
    return pl.pallas_call(
        _emb_body,
        grid=(nb,),
        in_specs=[
            pl.BlockSpec((R, D), lambda r: (r, 0)),
            pl.BlockSpec((D, D), lambda r: (0, 0)),
            pl.BlockSpec((1, D), lambda r: (0, 0)),
            pl.BlockSpec((D, D), lambda r: (0, 0)),
        ],
        out_specs=[
            pl.BlockSpec((R, HALF), lambda r: (r, 0)),
            pl.BlockSpec((R, HALF), lambda r: (r, 0)),
        ],
        out_shape=[
            jax.ShapeDtypeStruct((N_NODES, HALF), jnp.float32),
            jax.ShapeDtypeStruct((N_NODES, HALF), jnp.float32),
        ],
    )(x, W_emb, b_emb2, W_conv)


def _sc_pipeline(table, dsts, base, src_v, dstage, bufs, acc,
                 semg0, semg1, semd0, semd1, sems0, sems1):
    pltpu.async_copy(table.at[src_v.at[0]], bufs.at[0], semg0)

    def step(i, carry):
        p = i % 2
        q = (i + 1) % 2
        blk = i // DBLK
        bp = blk % 2

        @pl.when(i >= 1)
        def _():
            dummy = acc.at[dstage.at[bp, 0]]

            @pl.when(q == 0)
            def _():
                pltpu.make_async_copy(bufs.at[0], dummy, sems0).wait()

            @pl.when(q == 1)
            def _():
                pltpu.make_async_copy(bufs.at[1], dummy, sems1).wait()

        @pl.when((i % DBLK == 0) & (blk < NBLK - 1))
        def _():
            nxt = dsts.at[pl.ds(base + (blk + 1) * DBLK, DBLK)]

            @pl.when(bp == 0)
            def _():
                pltpu.async_copy(nxt, dstage.at[1], semd1)

            @pl.when(bp == 1)
            def _():
                pltpu.async_copy(nxt, dstage.at[0], semd0)

        @pl.when((i % DBLK == 0) & (i > 0))
        def _():
            cur = dsts.at[pl.ds(base + blk * DBLK, DBLK)]

            @pl.when(bp == 0)
            def _():
                pltpu.make_async_copy(cur, dstage.at[0], semd0).wait()

            @pl.when(bp == 1)
            def _():
                pltpu.make_async_copy(cur, dstage.at[1], semd1).wait()

        @pl.when(i < ROWS_PER_TILE - 1)
        def _():
            gsrc = table.at[src_v.at[i + 1]]

            @pl.when(q == 0)
            def _():
                pltpu.async_copy(gsrc, bufs.at[0], semg0)

            @pl.when(q == 1)
            def _():
                pltpu.async_copy(gsrc, bufs.at[1], semg1)

        gcur = table.at[src_v.at[i]]

        @pl.when(p == 0)
        def _():
            pltpu.make_async_copy(gcur, bufs.at[0], semg0).wait()

        @pl.when(p == 1)
        def _():
            pltpu.make_async_copy(gcur, bufs.at[1], semg1).wait()

        sdst = acc.at[dstage.at[bp, i % DBLK]]

        @pl.when(p == 0)
        def _():
            pltpu.async_copy(bufs.at[0], sdst, sems0, add=True)

        @pl.when(p == 1)
        def _():
            pltpu.async_copy(bufs.at[1], sdst, sems1, add=True)

        return carry

    lax.fori_loop(0, ROWS_PER_TILE, step, 0)
    lastd = acc.at[dstage.at[(NBLK - 1) % 2, 0]]
    pltpu.make_async_copy(bufs.at[1], lastd, sems1).wait()


def _sc_body(table0, table1, srcs, dsts, zeros, out0, out1,
             src_v, dstage, bufs, acc,
             semg0, semg1, semd0, semd1, sems0, sems1):
    c = lax.axis_index("c")
    s = lax.axis_index("s")
    base = s * ROWS_PER_TILE
    pltpu.sync_copy(srcs.at[pl.ds(base, ROWS_PER_TILE)], src_v)
    pltpu.sync_copy(dsts.at[pl.ds(base, DBLK)], dstage.at[0])
    pltpu.sync_copy(zeros, acc.at[pl.ds(s * ZROWS, ZROWS)])

    @pl.when(s == NS - 1)
    def _():
        pltpu.sync_copy(zeros.at[pl.ds(0, ZTAIL)],
                        acc.at[pl.ds(NS * ZROWS, ZTAIL)])

    plsc.subcore_barrier()

    sems = (semg0, semg1, semd0, semd1, sems0, sems1)

    @pl.when(c == 0)
    def _():
        _sc_pipeline(table0, dsts, base, src_v, dstage, bufs, acc, *sems)

    @pl.when(c == 1)
    def _():
        _sc_pipeline(table1, dsts, base, src_v, dstage, bufs, acc, *sems)

    plsc.subcore_barrier()

    @pl.when(c == 0)
    def _():
        pltpu.sync_copy(acc.at[pl.ds(s * ZROWS, ZROWS)],
                        out0.at[pl.ds(s * ZROWS, ZROWS)])

        @pl.when(s == NS - 1)
        def _():
            pltpu.sync_copy(acc.at[pl.ds(NS * ZROWS, ZTAIL)],
                            out0.at[pl.ds(NS * ZROWS, ZTAIL)])

    @pl.when(c == 1)
    def _():
        pltpu.sync_copy(acc.at[pl.ds(s * ZROWS, ZROWS)],
                        out1.at[pl.ds(s * ZROWS, ZROWS)])

        @pl.when(s == NS - 1)
        def _():
            pltpu.sync_copy(acc.at[pl.ds(NS * ZROWS, ZTAIL)],
                            out1.at[pl.ds(NS * ZROWS, ZTAIL)])


_sc_segsum = functools.partial(
    pl.kernel,
    out_type=(
        jax.ShapeDtypeStruct((N_NODES, HALF), jnp.float32),
        jax.ShapeDtypeStruct((N_NODES, HALF), jnp.float32),
    ),
    mesh=plsc.VectorSubcoreMesh(core_axis_name="c", subcore_axis_name="s"),
    scratch_types=[
        pltpu.VMEM((ROWS_PER_TILE, BATCH), jnp.int32),
        pltpu.VMEM((2, DBLK, BATCH), jnp.int32),
        pltpu.VMEM((2, BATCH, HALF), jnp.float32),
        pltpu.VMEM_SHARED((N_NODES, HALF), jnp.float32),
        pltpu.SemaphoreType.DMA,
        pltpu.SemaphoreType.DMA,
        pltpu.SemaphoreType.DMA,
        pltpu.SemaphoreType.DMA,
        pltpu.SemaphoreType.DMA,
        pltpu.SemaphoreType.DMA,
    ],
)(_sc_body)


def _read_body(s0_ref, s1_ref, bc_ref, wr_ref, br_ref, y_ref, hs_ref):
    hs = jnp.concatenate([s0_ref[...], s1_ref[...]], axis=1) + bc_ref[...]
    hs_ref[...] = hs
    y_ref[...] = jnp.tanh(hs) @ wr_ref[...] + br_ref[...]


def _readout(s0, s1, b_conv2, W_read, b_read2):
    R = 2000
    nb = N_NODES // R
    return pl.pallas_call(
        _read_body,
        grid=(nb,),
        in_specs=[
            pl.BlockSpec((R, HALF), lambda r: (r, 0)),
            pl.BlockSpec((R, HALF), lambda r: (r, 0)),
            pl.BlockSpec((1, D), lambda r: (0, 0)),
            pl.BlockSpec((D, D), lambda r: (0, 0)),
            pl.BlockSpec((1, D), lambda r: (0, 0)),
        ],
        out_specs=[
            pl.BlockSpec((R, D), lambda r: (r, 0)),
            pl.BlockSpec((R, D), lambda r: (r, 0)),
        ],
        out_shape=[
            jax.ShapeDtypeStruct((N_NODES, D), jnp.float32),
            jax.ShapeDtypeStruct((N_NODES, D), jnp.float32),
        ],
    )(s0, s1, b_conv2, W_read, b_read2)


def kernel(x, edge_index, W_emb, b_emb, W_conv, b_conv, W_read, b_read):
    ei = edge_index.astype(jnp.int32)
    srcs2 = ei[0].reshape(ROWS_TOTAL, BATCH)
    dst2 = ei[1].reshape(ROWS_TOTAL, BATCH)
    zeros = jnp.zeros((ZROWS, HALF), jnp.float32)

    t0, t1 = _make_table(x, W_emb, b_emb.reshape(1, D), W_conv)
    s0, s1 = _sc_segsum(t0, t1, srcs2, dst2, zeros)
    y, h_state = _readout(
        s0, s1, b_conv.reshape(1, D), W_read, b_read.reshape(1, D)
    )
    return (y, h_state)

# --- scband reference (transcript-rebuilt; emitter-appended) ---
"""Pipeline reference for scband-spatio-temporal-model-52913997087298 (READ-ONLY COPY).

The authoritative reference and input builder live on the scoring server;
editing this copy changes nothing except your own understanding.
"""

import jax, jax.numpy as jnp
import numpy as np

N_NODES = 10000
N_EDGES = 160000
D_IN = 256
D_HID = 256
D_OUT = 256


def setup_inputs(seed: int = 0) -> dict:
    key = jax.random.key(seed)
    ks = jax.random.split(key, 9)
    x = jax.random.normal(ks[0], (N_NODES, D_IN), dtype=jnp.float32)
    edge_index = jax.random.randint(ks[1], (2, N_EDGES), 0, N_NODES, dtype=jnp.int64)
    s_in = 1.0 / np.sqrt(D_IN)
    s_hid = 1.0 / np.sqrt(D_HID)
    W_emb = jax.random.uniform(ks[2], (D_IN, D_HID), jnp.float32, -s_in, s_in)
    b_emb = jax.random.uniform(ks[3], (D_HID,), jnp.float32, -s_in, s_in)
    W_conv = jax.random.uniform(ks[4], (D_HID, D_HID), jnp.float32, -s_hid, s_hid)
    b_conv = jax.random.uniform(ks[5], (D_HID,), jnp.float32, -s_hid, s_hid)
    W_read = jax.random.uniform(ks[6], (D_HID, D_OUT), jnp.float32, -s_hid, s_hid)
    b_read = jax.random.uniform(ks[7], (D_OUT,), jnp.float32, -s_hid, s_hid)
    return {"x": x, "edge_index": edge_index, "W_emb": W_emb, "b_emb": b_emb,
            "W_conv": W_conv, "b_conv": b_conv, "W_read": W_read, "b_read": b_read}


def reference(x, edge_index, W_emb, b_emb, W_conv, b_conv, W_read, b_read):
    # embedding: h = emb(x)
    h = x @ W_emb + b_emb
    # conv: GCN-style sum aggregation over incoming edges + linear (prev_h is None)
    src = edge_index[0]
    dst = edge_index[1]
    msgs = jnp.take(h, src, axis=0)
    agg = jax.ops.segment_sum(msgs, dst, num_segments=N_NODES)
    h_state = agg @ W_conv + b_conv
    # activation (iterate=False -> single step)
    h = jnp.tanh(h_state)
    # readout
    y = h @ W_read + b_read
    return (y, h_state)

if __name__ == "__main__":
    import jax
    _d = setup_inputs()
    print(jax.jit(kernel)(*tuple(_d.values())))

</pallas_src>

<mosaic_0001>
#map = affine_map<(d0, d1) -> (0, 0)>
module attributes {stable_mosaic.version = 14 : i64} {
  func.func @_sc_body(%arg0: i32, %arg1: i32, %arg2: memref<10000x128xf32, #tpu.memory_space<hbm>>, %arg3: memref<10000x128xf32, #tpu.memory_space<hbm>>, %arg4: memref<1280x125xi32, #tpu.memory_space<hbm>>, %arg5: memref<1280x125xi32, #tpu.memory_space<hbm>>, %arg6: memref<624x128xf32, #tpu.memory_space<hbm>>, %arg7: memref<10000x128xf32, #tpu.memory_space<hbm>>, %arg8: memref<10000x128xf32, #tpu.memory_space<hbm>>, %arg9: memref<80x125xi32, #tpu.memory_space<vmem>>, %arg10: memref<2x16x125xi32, #tpu.memory_space<vmem>>, %arg11: memref<2x125x128xf32, #tpu.memory_space<vmem>>, %arg12: memref<10000x128xf32, #tpu.memory_space<vmem_shared>>, %arg13: memref<!tpu.dma_semaphore, #tpu.memory_space<semaphore_mem>>, %arg14: memref<!tpu.dma_semaphore, #tpu.memory_space<semaphore_mem>>, %arg15: memref<!tpu.dma_semaphore, #tpu.memory_space<semaphore_mem>>, %arg16: memref<!tpu.dma_semaphore, #tpu.memory_space<semaphore_mem>>, %arg17: memref<!tpu.dma_semaphore, #tpu.memory_space<semaphore_mem>>, %arg18: memref<!tpu.dma_semaphore, #tpu.memory_space<semaphore_mem>>) attributes {dimension_semantics = [#tpu.dimension_semantics<core_parallel>, #tpu.dimension_semantics<subcore_parallel>], iteration_bounds = array<i64: 2, 16>, scalar_prefetch = 0 : i64, scratch_operands = 10 : i64, tpu.core_type = #tpu.core_type<sc_vector_subcore>, window_params = [{transform_indices = #map}, {transform_indices = #map}, {transform_indices = #map}, {transform_indices = #map}, {transform_indices = #map}, {transform_indices = #map}, {transform_indices = #map}]} {
    %mul3A = arith.constant 80 : i32
    %mul3A_0 = arith.muli %arg1, %mul3A : i32
    "tpu.region"() ({
      %run_scoped3A_26 = tpu.sem_alloc : memref<!tpu.dma_semaphore, #tpu.memory_space<semaphore_mem>>
      %dma_start3A = arith.constant 0 : i32
      %dma_start3A_27 = tpu.memref_slice %arg4[%mul3A_0, %dma_start3A] : memref<1280x125xi32, #tpu.memory_space<hbm>> -> memref<80x125xi32, #tpu.memory_space<hbm>>
      %dma_start3A_28 = arith.constant 0 : i32
      %dma_start3A_29 = tpu.memref_slice %arg4[%mul3A_0, %dma_start3A_28] : memref<1280x125xi32, #tpu.memory_space<hbm>> -> memref<80x125xi32, #tpu.memory_space<hbm>>
      tpu.enqueue_dma source(%dma_start3A_29 : memref<80x125xi32, #tpu.memory_space<hbm>>) target(%arg9 : memref<80x125xi32, #tpu.memory_space<vmem>>) target_semaphore(%run_scoped3A_26 : memref<!tpu.dma_semaphore, #tpu.memory_space<semaphore_mem>>)
      %dma_wait3A = arith.constant 0 : i32
      %dma_wait3A_30 = tpu.memref_slice %arg4[%mul3A_0, %dma_wait3A] : memref<1280x125xi32, #tpu.memory_space<hbm>> -> memref<80x125xi32, #tpu.memory_space<hbm>>
      %dma_wait3A_31 = arith.constant 0 : i32
      %dma_wait3A_32 = tpu.memref_slice %arg4[%mul3A_0, %dma_wait3A_31] : memref<1280x125xi32, #tpu.memory_space<hbm>> -> memref<80x125xi32, #tpu.memory_space<hbm>>
      tpu.wait_dma2 semaphore(%run_scoped3A_26 : memref<!tpu.dma_semaphore, #tpu.memory_space<semaphore_mem>>) src(%dma_wait3A_32 : memref<80x125xi32, #tpu.memory_space<hbm>>) dst(%arg9 : memref<80x125xi32, #tpu.memory_space<vmem>>)
      tpu.yield
    }) : () -> ()
    %run_scoped3A = arith.constant 0 : i32
    "tpu.region"() ({
      %run_scoped3A_26 = tpu.sem_alloc : memref<!tpu.dma_semaphore, #tpu.memory_space<semaphore_mem>>
      %dma_start3A = arith.constant 0 : i32
      %dma_start3A_27 = arith.constant 0 : i32
      %dma_start3A_28 = tpu.memref_slice %arg10[%run_scoped3A, %dma_start3A, %dma_start3A_27] : memref<2x16x125xi32, #tpu.memory_space<vmem>> -> memref<1x16x125xi32, #tpu.memory_space<vmem>>
      %dma_start3A_29 = tpu.memref_squeeze %dma_start3A_28 : memref<1x16x125xi32, #tpu.memory_space<vmem>> -> memref<16x125xi32, #tpu.memory_space<vmem>>
      %dma_start3A_30 = arith.constant 0 : i32
      %dma_start3A_31 = tpu.memref_slice %arg5[%mul3A_0, %dma_start3A_30] : memref<1280x125xi32, #tpu.memory_space<hbm>> -> memref<16x125xi32, #tpu.memory_space<hbm>>
      %dma_start3A_32 = arith.constant 0 : i32
      %dma_start3A_33 = arith.constant 0 : i32
      %dma_start3A_34 = tpu.memref_slice %arg10[%run_scoped3A, %dma_start3A_32, %dma_start3A_33] : memref<2x16x125xi32, #tpu.memory_space<vmem>> -> memref<1x16x125xi32, #tpu.memory_space<vmem>>
      %dma_start3A_35 = tpu.memref_squeeze %dma_start3A_34 : memref<1x16x125xi32, #tpu.memory_space<vmem>> -> memref<16x125xi32, #tpu.memory_space<vmem>>
      %dma_start3A_36 = arith.constant 0 : i32
      %dma_start3A_37 = tpu.memref_slice %arg5[%mul3A_0, %dma_start3A_36] : memref<1280x125xi32, #tpu.memory_space<hbm>> -> memref<16x125xi32, #tpu.memory_space<hbm>>
      tpu.enqueue_dma source(%dma_start3A_37 : memref<16x125xi32, #tpu.memory_space<hbm>>) target(%dma_start3A_35 : memref<16x125xi32, #tpu.memory_space<vmem>>) target_semaphore(%run_scoped3A_26 : memref<!tpu.dma_semaphore, #tpu.memory_space<semaphore_mem>>)
      %dma_wait3A = arith.constant 0 : i32
      %dma_wait3A_38 = arith.constant 0 : i32
      %dma_wait3A_39 = tpu.memref_slice %arg10[%run_scoped3A, %dma_wait3A, %dma_wait3A_38] : memref<2x16x125xi32, #tpu.memory_space<vmem>> -> memref<1x16x125xi32, #tpu.memory_space<vmem>>
      %dma_wait3A_40 = tpu.memref_squeeze %dma_wait3A_39 : memref<1x16x125xi32, #tpu.memory_space<vmem>> -> memref<16x125xi32, #tpu.memory_space<vmem>>
      %dma_wait3A_41 = arith.constant 0 : i32
      %dma_wait3A_42 = tpu.memref_slice %arg5[%mul3A_0, %dma_wait3A_41] : memref<1280x125xi32, #tpu.memory_space<hbm>> -> memref<16x125xi32, #tpu.memory_space<hbm>>
      %dma_wait3A_43 = arith.constant 0 : i32
      %dma_wait3A_44 = arith.constant 0 : i32
      %dma_wait3A_45 = tpu.memref_slice %arg10[%run_scoped3A, %dma_wait3A_43, %dma_wait3A_44] : memref<2x16x125xi32, #tpu.memory_space<vmem>> -> memref<1x16x125xi32, #tpu.memory_space<vmem>>
      %dma_wait3A_46 = tpu.memref_squeeze %dma_wait3A_45 : memref<1x16x125xi32, #tpu.memory_space<vmem>> -> memref<16x125xi32, #tpu.memory_space<vmem>>
      %dma_wait3A_47 = arith.constant 0 : i32
      %dma_wait3A_48 = tpu.memref_slice %arg5[%mul3A_0, %dma_wait3A_47] : memref<1280x125xi32, #tpu.memory_space<hbm>> -> memref<16x125xi32, #tpu.memory_space<hbm>>
      tpu.wait_dma2 semaphore(%run_scoped3A_26 : memref<!tpu.dma_semaphore, #tpu.memory_space<semaphore_mem>>) src(%dma_wait3A_48 : memref<16x125xi32, #tpu.memory_space<hbm>>) dst(%dma_wait3A_46 : memref<16x125xi32, #tpu.memory_space<vmem>>)
      tpu.yield
    }) : () -> ()
    %mul3A_1 = arith.constant 624 : i32
    %mul3A_2 = arith.muli %arg1, %mul3A_1 : i32
    "tpu.region"() ({
      %run_scoped3A_26 = tpu.sem_alloc : memref<!tpu.dma_semaphore, #tpu.memory_space<semaphore_mem>>
      %dma_start3A = arith.constant 0 : i32
      %dma_start3A_27 = tpu.memref_slice %arg12[%mul3A_2, %dma_start3A] : memref<10000x128xf32, #tpu.memory_space<vmem_shared>> -> memref<624x128xf32, #tpu.memory_space<vmem_shared>>
      tpu.enqueue_dma source(%arg6 : memref<624x128xf32, #tpu.memory_space<hbm>>) target(%dma_start3A_27 : memref<624x128xf32, #tpu.memory_space<vmem_shared>>) target_semaphore(%run_scoped3A_26 : memref<!tpu.dma_semaphore, #tpu.memory_space<semaphore_mem>>)
      %dma_wait3A = arith.constant 0 : i32
      %dma_wait3A_28 = tpu.memref_slice %arg12[%mul3A_2, %dma_wait3A] : memref<10000x128xf32, #tpu.memory_space<vmem_shared>> -> memref<624x128xf32, #tpu.memory_space<vmem_shared>>
      tpu.wait_dma2 semaphore(%run_scoped3A_26 : memref<!tpu.dma_semaphore, #tpu.memory_space<semaphore_mem>>) src(%arg6 : memref<624x128xf32, #tpu.memory_space<hbm>>) dst(%dma_wait3A_28 : memref<624x128xf32, #tpu.memory_space<vmem_shared>>)
      tpu.yield
    }) : () -> ()
    %eq3A = arith.constant 15 : i32
    %eq3A_3 = arith.cmpi eq, %arg1, %eq3A : i32
    %convert_element_type3A = arith.extui %eq3A_3 : i1 to i32
    %cond3A = arith.constant 0 : i32
    %cond3A_4 = arith.cmpi ne, %convert_element_type3A, %cond3A : i32
    scf.if %cond3A_4 {
      "tpu.region"() ({
        %run_scoped3A_26 = tpu.sem_alloc : memref<!tpu.dma_semaphore, #tpu.memory_space<semaphore_mem>>
        %dma_start3A = arith.constant 9984 : i32
        %dma_start3A_27 = arith.constant 0 : i32
        %dma_start3A_28 = tpu.memref_slice %arg12[%dma_start3A, %dma_start3A_27] : memref<10000x128xf32, #tpu.memory_space<vmem_shared>> -> memref<16x128xf32, #tpu.memory_space<vmem_shared>>
        %dma_start3A_29 = arith.constant 0 : i32
        %dma_start3A_30 = arith.constant 0 : i32
        %dma_start3A_31 = tpu.memref_slice %arg6[%dma_start3A_29, %dma_start3A_30] : memref<624x128xf32, #tpu.memory_space<hbm>> -> memref<16x128xf32, #tpu.memory_space<hbm>>
        tpu.enqueue_dma source(%dma_start3A_31 : memref<16x128xf32, #tpu.memory_space<hbm>>) target(%dma_start3A_28 : memref<16x128xf32, #tpu.memory_space<vmem_shared>>) target_semaphore(%run_scoped3A_26 : memref<!tpu.dma_semaphore, #tpu.memory_space<semaphore_mem>>)
        %dma_wait3A = arith.constant 9984 : i32
        %dma_wait3A_32 = arith.constant 0 : i32
        %dma_wait3A_33 = tpu.memref_slice %arg12[%dma_wait3A, %dma_wait3A_32] : memref<10000x128xf32, #tpu.memory_space<vmem_shared>> -> memref<16x128xf32, #tpu.memory_space<vmem_shared>>
        %dma_wait3A_34 = arith.constant 0 : i32
        %dma_wait3A_35 = arith.constant 0 : i32
        %dma_wait3A_36 = tpu.memref_slice %arg6[%dma_wait3A_34, %dma_wait3A_35] : memref<624x128xf32, #tpu.memory_space<hbm>> -> memref<16x128xf32, #tpu.memory_space<hbm>>
        tpu.wait_dma2 semaphore(%run_scoped3A_26 : memref<!tpu.dma_semaphore, #tpu.memory_space<semaphore_mem>>) src(%dma_wait3A_36 : memref<16x128xf32, #tpu.memory_space<hbm>>) dst(%dma_wait3A_33 : memref<16x128xf32, #tpu.memory_space<vmem_shared>>)
        tpu.yield
      }) : () -> ()
    } else {
    }
    %barrier3A = arith.constant 0 : index
    tpu.barrier barrier_id(%barrier3A)
    %eq3A_5 = arith.constant 0 : i32
    %eq3A_6 = arith.cmpi eq, %arg0, %eq3A_5 : i32
    %convert_element_type3A_7 = arith.extui %eq3A_6 : i1 to i32
    %cond3A_8 = arith.constant 0 : i32
    %cond3A_9 = arith.cmpi ne, %convert_element_type3A_7, %cond3A_8 : i32
    scf.if %cond3A_9 {
      %dma_start3A = arith.constant 0 : i32
      %dma_start3A_26 = arith.constant 0 : i32
      %dma_start3A_27 = arith.constant 0 : i32
      %dma_start3A_28 = arith.constant 0 : i32
      %dma_start3A_29 = tpu.memref_slice %arg11[%dma_start3A_26, %dma_start3A_27, %dma_start3A_28] : memref<2x125x128xf32, #tpu.memory_space<vmem>> -> memref<1x125x128xf32, #tpu.memory_space<vmem>>
      %dma_start3A_30 = tpu.memref_squeeze %dma_start3A_29 : memref<1x125x128xf32, #tpu.memory_space<vmem>> -> memref<125x128xf32, #tpu.memory_space<vmem>>
      %dma_start3A_31 = arith.constant 0 : i32
      %dma_start3A_32 = tpu.memref_slice %arg9[%dma_start3A, %dma_start3A_31] : memref<80x125xi32, #tpu.memory_space<vmem>> -> memref<1x125xi32, #tpu.memory_space<vmem>>
      %dma_start3A_33 = tpu.memref_squeeze %dma_start3A_32 : memref<1x125xi32, #tpu.memory_space<vmem>> -> memref<125xi32, #tpu.memory_space<vmem>>
      %dma_start3A_34 = arith.constant 0 : i32
      %dma_start3A_35 = arith.constant 0 : i32
      %dma_start3A_36 = tpu.memref_slice %arg2[%dma_start3A_34, %dma_start3A_35] : memref<10000x128xf32, #tpu.memory_space<hbm>> -> memref<10000x128xf32, #tpu.memory_space<hbm>>
      tpu.enqueue_indirect_dma source(%dma_start3A_36 : memref<10000x128xf32, #tpu.memory_space<hbm>>) target(%dma_start3A_30 : memref<125x128xf32, #tpu.memory_space<vmem>>) offsets(%dma_start3A_33 : memref<125xi32, #tpu.memory_space<vmem>>) semaphore(%arg13 : memref<!tpu.dma_semaphore, #tpu.memory_space<semaphore_mem>>)
      %scan3A = arith.constant 0 : i32
      %scan3A_37 = arith.constant 0 : i32
      %scan3A_38 = arith.constant 80 : i32
      %scan3A_39 = arith.addi %scan3A_37, %scan3A_38 : i32
      %scan3A_40 = arith.constant 1 : i32
      scf.for %scan3A_54 = %scan3A_37 to %scan3A_39 step %scan3A_40  : i32 {
        %jit3A = arith.constant 2 : i32
        %eq3A_55 = arith.constant 0 : i32
        %eq3A_56 = arith.cmpi eq, %jit3A, %eq3A_55 : i32
        %jit3A_57 = arith.constant 1 : i32
        %select_n3A = arith.select %eq3A_56, %jit3A_57, %jit3A : i32
        %rem3A = arith.remsi %scan3A_54, %select_n3A : i32
        %ne3A = arith.constant 0 : i32
        %ne3A_58 = arith.cmpi ne, %rem3A, %ne3A : i32
        %lt3A = arith.constant 0 : i32
        %lt3A_59 = arith.cmpi slt, %rem3A, %lt3A : i32
        %lt3A_60 = arith.constant 0 : i32
        %lt3A_61 = arith.cmpi slt, %select_n3A, %lt3A_60 : i32
        %ne3A_62 = arith.xori %lt3A_59, %lt3A_61 : i1
        %and3A = arith.andi %ne3A_62, %ne3A_58 : i1
        %add3A = arith.addi %rem3A, %select_n3A : i32
        %select_n3A_63 = arith.select %and3A, %add3A, %rem3A : i32
        %add3A_64 = arith.constant 1 : i32
        %add3A_65 = arith.addi %scan3A_54, %add3A_64 : i32
        %jit3A_66 = arith.constant 2 : i32
        %eq3A_67 = arith.constant 0 : i32
        %eq3A_68 = arith.cmpi eq, %jit3A_66, %eq3A_67 : i32
        %jit3A_69 = arith.constant 1 : i32
        %select_n3A_70 = arith.select %eq3A_68, %jit3A_69, %jit3A_66 : i32
        %rem3A_71 = arith.remsi %add3A_65, %select_n3A_70 : i32
        %ne3A_72 = arith.constant 0 : i32
        %ne3A_73 = arith.cmpi ne, %rem3A_71, %ne3A_72 : i32
        %lt3A_74 = arith.constant 0 : i32
        %lt3A_75 = arith.cmpi slt, %rem3A_71, %lt3A_74 : i32
        %lt3A_76 = arith.constant 0 : i32
        %lt3A_77 = arith.cmpi slt, %select_n3A_70, %lt3A_76 : i32
        %ne3A_78 = arith.xori %lt3A_75, %lt3A_77 : i1
        %and3A_79 = arith.andi %ne3A_78, %ne3A_73 : i1
        %add3A_80 = arith.addi %rem3A_71, %select_n3A_70 : i32
        %select_n3A_81 = arith.select %and3A_79, %add3A_80, %rem3A_71 : i32
        %jit3A_82 = arith.constant 16 : i32
        %div3A = arith.divsi %scan3A_54, %jit3A_82 : i32
        %sign3A = arith.constant 0 : i32
        %sign3A_83 = arith.cmpi sgt, %scan3A_54, %sign3A : i32
        %sign3A_84 = arith.extui %sign3A_83 : i1 to i32
        %sign3A_85 = arith.constant 0 : i32
        %sign3A_86 = arith.cmpi slt, %scan3A_54, %sign3A_85 : i32
        %sign3A_87 = arith.extui %sign3A_86 : i1 to i32
        %sign3A_88 = arith.subi %sign3A_84, %sign3A_87 : i32
        %sign3A_89 = arith.constant 0 : i32
        %sign3A_90 = arith.cmpi sgt, %jit3A_82, %sign3A_89 : i32
        %sign3A_91 = arith.extui %sign3A_90 : i1 to i32
        %sign3A_92 = arith.constant 0 : i32
        %sign3A_93 = arith.cmpi slt, %jit3A_82, %sign3A_92 : i32
        %sign3A_94 = arith.extui %sign3A_93 : i1 to i32
        %sign3A_95 = arith.subi %sign3A_91, %sign3A_94 : i32
        %ne3A_96 = arith.cmpi ne, %sign3A_88, %sign3A_95 : i32
        %rem3A_97 = arith.remsi %scan3A_54, %jit3A_82 : i32
        %ne3A_98 = arith.constant 0 : i32
        %ne3A_99 = arith.cmpi ne, %rem3A_97, %ne3A_98 : i32
        %and3A_100 = arith.andi %ne3A_96, %ne3A_99 : i1
        %sub3A = arith.constant 1 : i32
        %sub3A_101 = arith.subi %div3A, %sub3A : i32
        %select_n3A_102 = arith.select %and3A_100, %sub3A_101, %div3A : i32
        %jit3A_103 = arith.constant 2 : i32
        %eq3A_104 = arith.constant 0 : i32
        %eq3A_105 = arith.cmpi eq, %jit3A_103, %eq3A_104 : i32
        %jit3A_106 = arith.constant 1 : i32
        %select_n3A_107 = arith.select %eq3A_105, %jit3A_106, %jit3A_103 : i32
        %rem3A_108 = arith.remsi %select_n3A_102, %select_n3A_107 : i32
        %ne3A_109 = arith.constant 0 : i32
        %ne3A_110 = arith.cmpi ne, %rem3A_108, %ne3A_109 : i32
        %lt3A_111 = arith.constant 0 : i32
        %lt3A_112 = arith.cmpi slt, %rem3A_108, %lt3A_111 : i32
        %lt3A_113 = arith.constant 0 : i32
        %lt3A_114 = arith.cmpi slt, %select_n3A_107, %lt3A_113 : i32
        %ne3A_115 = arith.xori %lt3A_112, %lt3A_114 : i1
        %and3A_116 = arith.andi %ne3A_115, %ne3A_110 : i1
        %add3A_117 = arith.addi %rem3A_108, %select_n3A_107 : i32
        %select_n3A_118 = arith.select %and3A_116, %add3A_117, %rem3A_108 : i32
        %ge3A = arith.constant 1 : i32
        %ge3A_119 = arith.cmpi sge, %scan3A_54, %ge3A : i32
        %convert_element_type3A_120 = arith.extui %ge3A_119 : i1 to i32
        %cond3A_121 = arith.constant 0 : i32
        %cond3A_122 = arith.cmpi ne, %convert_element_type3A_120, %cond3A_121 : i32
        scf.if %cond3A_122 {
          %eq3A_211 = arith.constant 0 : i32
          %eq3A_212 = arith.cmpi eq, %select_n3A_81, %eq3A_211 : i32
          %convert_element_type3A_213 = arith.extui %eq3A_212 : i1 to i32
          %cond3A_214 = arith.constant 0 : i32
          %cond3A_215 = arith.constant 0 : i32
          %cond3A_216 = arith.cmpi ne, %convert_element_type3A_213, %cond3A_215 : i32
          scf.if %cond3A_216 {
            %dma_wait3A_223 = arith.constant 0 : i32
            %dma_wait3A_224 = arith.constant 0 : i32
            %dma_wait3A_225 = arith.constant 0 : i32
            %dma_wait3A_226 = tpu.memref_slice %arg11[%dma_wait3A_223, %dma_wait3A_224, %dma_wait3A_225] : memref<2x125x128xf32, #tpu.memory_space<vmem>> -> memref<1x125x128xf32, #tpu.memory_space<vmem>>
            %dma_wait3A_227 = tpu.memref_squeeze %dma_wait3A_226 : memref<1x125x128xf32, #tpu.memory_space<vmem>> -> memref<125x128xf32, #tpu.memory_space<vmem>>
            %dma_wait3A_228 = arith.constant 0 : i32
            %dma_wait3A_229 = tpu.memref_slice %arg10[%select_n3A_118, %cond3A_214, %dma_wait3A_228] : memref<2x16x125xi32, #tpu.memory_space<vmem>> -> memref<1x1x125xi32, #tpu.memory_space<vmem>>
            %dma_wait3A_230 = tpu.memref_squeeze %dma_wait3A_229 : memref<1x1x125xi32, #tpu.memory_space<vmem>> -> memref<125xi32, #tpu.memory_space<vmem>>
            %dma_wait3A_231 = arith.constant 0 : i32
            %dma_wait3A_232 = arith.constant 0 : i32
            %dma_wait3A_233 = tpu.memref_slice %arg12[%dma_wait3A_231, %dma_wait3A_232] : memref<10000x128xf32, #tpu.memory_space<vmem_shared>> -> memref<10000x128xf32, #tpu.memory_space<vmem_shared>>
            tpu.wait_indirect_dma semaphore(%arg17 : memref<!tpu.dma_semaphore, #tpu.memory_space<semaphore_mem>>) src(%dma_wait3A_227 : memref<125x128xf32, #tpu.memory_space<vmem>>) dst(%dma_wait3A_233 : memref<10000x128xf32, #tpu.memory_space<vmem_shared>>)
          } else {
          }
          %eq3A_217 = arith.constant 1 : i32
          %eq3A_218 = arith.cmpi eq, %select_n3A_81, %eq3A_217 : i32
          %convert_element_type3A_219 = arith.extui %eq3A_218 : i1 to i32
          %cond3A_220 = arith.constant 0 : i32
          %cond3A_221 = arith.constant 0 : i32
          %cond3A_222 = arith.cmpi ne, %convert_element_type3A_219, %cond3A_221 : i32
          scf.if %cond3A_222 {
            %dma_wait3A_223 = arith.constant 1 : i32
            %dma_wait3A_224 = arith.constant 0 : i32
            %dma_wait3A_225 = arith.constant 0 : i32
            %dma_wait3A_226 = tpu.memref_slice %arg11[%dma_wait3A_223, %dma_wait3A_224, %dma_wait3A_225] : memref<2x125x128xf32, #tpu.memory_space<vmem>> -> memref<1x125x128xf32, #tpu.memory_space<vmem>>
            %dma_wait3A_227 = tpu.memref_squeeze %dma_wait3A_226 : memref<1x125x128xf32, #tpu.memory_space<vmem>> -> memref<125x128xf32, #tpu.memory_space<vmem>>
            %dma_wait3A_228 = arith.constant 0 : i32
            %dma_wait3A_229 = tpu.memref_slice %arg10[%select_n3A_118, %cond3A_220, %dma_wait3A_228] : memref<2x16x125xi32, #tpu.memory_space<vmem>> -> memref<1x1x125xi32, #tpu.memory_space<vmem>>
            %dma_wait3A_230 = tpu.memref_squeeze %dma_wait3A_229 : memref<1x1x125xi32, #tpu.memory_space<vmem>> -> memref<125xi32, #tpu.memory_space<vmem>>
            %dma_wait3A_231 = arith.constant 0 : i32
            %dma_wait3A_232 = arith.constant 0 : i32
            %dma_wait3A_233 = tpu.memref_slice %arg12[%dma_wait3A_231, %dma_wait3A_232] : memref<10000x128xf32, #tpu.memory_space<vmem_shared>> -> memref<10000x128xf32, #tpu.memory_space<vmem_shared>>
            tpu.wait_indirect_dma semaphore(%arg18 : memref<!tpu.dma_semaphore, #tpu.memory_space<semaphore_mem>>) src(%dma_wait3A_227 : memref<125x128xf32, #tpu.memory_space<vmem>>) dst(%dma_wait3A_233 : memref<10000x128xf32, #tpu.memory_space<vmem_shared>>)
          } else {
          }
        } else {
        }
        %jit3A_123 = arith.constant 16 : i32
        %eq3A_124 = arith.constant 0 : i32
        %eq3A_125 = arith.cmpi eq, %jit3A_123, %eq3A_124 : i32
        %jit3A_126 = arith.constant 1 : i32
        %select_n3A_127 = arith.select %eq3A_125, %jit3A_126, %jit3A_123 : i32
        %rem3A_128 = arith.remsi %scan3A_54, %select_n3A_127 : i32
        %ne3A_129 = arith.constant 0 : i32
        %ne3A_130 = arith.cmpi ne, %rem3A_128, %ne3A_129 : i32
        %lt3A_131 = arith.constant 0 : i32
        %lt3A_132 = arith.cmpi slt, %rem3A_128, %lt3A_131 : i32
        %lt3A_133 = arith.constant 0 : i32
        %lt3A_134 = arith.cmpi slt, %select_n3A_127, %lt3A_133 : i32
        %ne3A_135 = arith.xori %lt3A_132, %lt3A_134 : i1
        %and3A_136 = arith.andi %ne3A_135, %ne3A_130 : i1
        %add3A_137 = arith.addi %rem3A_128, %select_n3A_127 : i32
        %select_n3A_138 = arith.select %and3A_136, %add3A_137, %rem3A_128 : i32
        %eq3A_139 = arith.constant 0 : i32
        %eq3A_140 = arith.cmpi eq, %select_n3A_138, %eq3A_139 : i32
        %lt3A_141 = arith.constant 4 : i32
        %lt3A_142 = arith.cmpi slt, %select_n3A_102, %lt3A_141 : i32
        %and3A_143 = arith.andi %eq3A_140, %lt3A_142 : i1
        %convert_element_type3A_144 = arith.extui %and3A_143 : i1 to i32
        %cond3A_145 = arith.constant 0 : i32
        %cond3A_146 = arith.cmpi ne, %convert_element_type3A_144, %cond3A_145 : i32
        scf.if %cond3A_146 {
          %add3A_211 = arith.constant 1 : i32
          %add3A_212 = arith.addi %select_n3A_102, %add3A_211 : i32
          %mul3A_213 = arith.constant 16 : i32
          %mul3A_214 = arith.muli %add3A_212, %mul3A_213 : i32
          %add3A_215 = arith.addi %mul3A_0, %mul3A_214 : i32
          %eq3A_216 = arith.constant 0 : i32
          %eq3A_217 = arith.cmpi eq, %select_n3A_118, %eq3A_216 : i32
          %convert_element_type3A_218 = arith.extui %eq3A_217 : i1 to i32
          %cond3A_219 = arith.constant 0 : i32
          %cond3A_220 = arith.cmpi ne, %convert_element_type3A_218, %cond3A_219 : i32
          scf.if %cond3A_220 {
            %dma_start3A_226 = arith.constant 1 : i32
            %dma_start3A_227 = arith.constant 0 : i32
            %dma_start3A_228 = arith.constant 0 : i32
            %dma_start3A_229 = tpu.memref_slice %arg10[%dma_start3A_226, %dma_start3A_227, %dma_start3A_228] : memref<2x16x125xi32, #tpu.memory_space<vmem>> -> memref<1x16x125xi32, #tpu.memory_space<vmem>>
            %dma_start3A_230 = tpu.memref_squeeze %dma_start3A_229 : memref<1x16x125xi32, #tpu.memory_space<vmem>> -> memref<16x125xi32, #tpu.memory_space<vmem>>
            %dma_start3A_231 = arith.constant 0 : i32
            %dma_start3A_232 = tpu.memref_slice %arg5[%add3A_215, %dma_start3A_231] : memref<1280x125xi32, #tpu.memory_space<hbm>> -> memref<16x125xi32, #tpu.memory_space<hbm>>
            %dma_start3A_233 = arith.constant 0 : i32
            %dma_start3A_234 = arith.constant 0 : i32
            %dma_start3A_235 = tpu.memref_slice %arg10[%dma_start3A_226, %dma_start3A_233, %dma_start3A_234] : memref<2x16x125xi32, #tpu.memory_space<vmem>> -> memref<1x16x125xi32, #tpu.memory_space<vmem>>
            %dma_start3A_236 = tpu.memref_squeeze %dma_start3A_235 : memref<1x16x125xi32, #tpu.memory_space<vmem>> -> memref<16x125xi32, #tpu.memory_space<vmem>>
            %dma_start3A_237 = arith.constant 0 : i32
            %dma_start3A_238 = tpu.memref_slice %arg5[%add3A_215, %dma_start3A_237] : memref<1280x125xi32, #tpu.memory_space<hbm>> -> memref<16x125xi32, #tpu.memory_space<hbm>>
            tpu.enqueue_dma source(%dma_start3A_238 : memref<16x125xi32, #tpu.memory_space<hbm>>) target(%dma_start3A_236 : memref<16x125xi32, #tpu.memory_space<vmem>>) target_semaphore(%arg16 : memref<!tpu.dma_semaphore, #tpu.memory_space<semaphore_mem>>)
          } else {
          }
          %eq3A_221 = arith.constant 1 : i32
          %eq3A_222 = arith.cmpi eq, %select_n3A_118, %eq3A_221 : i32
          %convert_element_type3A_223 = arith.extui %eq3A_222 : i1 to i32
          %cond3A_224 = arith.constant 0 : i32
          %cond3A_225 = arith.cmpi ne, %convert_element_type3A_223, %cond3A_224 : i32
          scf.if %cond3A_225 {
            %dma_start3A_226 = arith.constant 0 : i32
            %dma_start3A_227 = arith.constant 0 : i32
            %dma_start3A_228 = arith.constant 0 : i32
            %dma_start3A_229 = tpu.memref_slice %arg10[%dma_start3A_226, %dma_start3A_227, %dma_start3A_228] : memref<2x16x125xi32, #tpu.memory_space<vmem>> -> memref<1x16x125xi32, #tpu.memory_space<vmem>>
            %dma_start3A_230 = tpu.memref_squeeze %dma_start3A_229 : memref<1x16x125xi32, #tpu.memory_space<vmem>> -> memref<16x125xi32, #tpu.memory_space<vmem>>
            %dma_start3A_231 = arith.constant 0 : i32
            %dma_start3A_232 = tpu.memref_slice %arg5[%add3A_215, %dma_start3A_231] : memref<1280x125xi32, #tpu.memory_space<hbm>> -> memref<16x125xi32, #tpu.memory_space<hbm>>
            %dma_start3A_233 = arith.constant 0 : i32
            %dma_start3A_234 = arith.constant 0 : i32
            %dma_start3A_235 = tpu.memref_slice %arg10[%dma_start3A_226, %dma_start3A_233, %dma_start3A_234] : memref<2x16x125xi32, #tpu.memory_space<vmem>> -> memref<1x16x125xi32, #tpu.memory_space<vmem>>
            %dma_start3A_236 = tpu.memref_squeeze %dma_start3A_235 : memref<1x16x125xi32, #tpu.memory_space<vmem>> -> memref<16x125xi32, #tpu.memory_space<vmem>>
            %dma_start3A_237 = arith.constant 0 : i32
            %dma_start3A_238 = tpu.memref_slice %arg5[%add3A_215, %dma_start3A_237] : memref<1280x125xi32, #tpu.memory_space<hbm>> -> memref<16x125xi32, #tpu.memory_space<hbm>>
            tpu.enqueue_dma source(%dma_start3A_238 : memref<16x125xi32, #tpu.memory_space<hbm>>) target(%dma_start3A_236 : memref<16x125xi32, #tpu.memory_space<vmem>>) target_semaphore(%arg15 : memref<!tpu.dma_semaphore, #tpu.memory_space<semaphore_mem>>)
          } else {
          }
        } else {
        }
        %jit3A_147 = arith.constant 16 : i32
        %eq3A_148 = arith.constant 0 : i32
        %eq3A_149 = arith.cmpi eq, %jit3A_147, %eq3A_148 : i32
        %jit3A_150 = arith.constant 1 : i32
        %select_n3A_151 = arith.select %eq3A_149, %jit3A_150, %jit3A_147 : i32
        %rem3A_152 = arith.remsi %scan3A_54, %select_n3A_151 : i32
        %ne3A_153 = arith.constant 0 : i32
        %ne3A_154 = arith.cmpi ne, %rem3A_152, %ne3A_153 : i32
        %lt3A_155 = arith.constant 0 : i32
        %lt3A_156 = arith.cmpi slt, %rem3A_152, %lt3A_155 : i32
        %lt3A_157 = arith.constant 0 : i32
        %lt3A_158 = arith.cmpi slt, %select_n3A_151, %lt3A_157 : i32
        %ne3A_159 = arith.xori %lt3A_156, %lt3A_158 : i1
        %and3A_160 = arith.andi %ne3A_159, %ne3A_154 : i1
        %add3A_161 = arith.addi %rem3A_152, %select_n3A_151 : i32
        %select_n3A_162 = arith.select %and3A_160, %add3A_161, %rem3A_152 : i32
        %eq3A_163 = arith.constant 0 : i32
        %eq3A_164 = arith.cmpi eq, %select_n3A_162, %eq3A_163 : i32
        %gt3A = arith.constant 0 : i32
        %gt3A_165 = arith.cmpi sgt, %scan3A_54, %gt3A : i32
        %and3A_166 = arith.andi %eq3A_164, %gt3A_165 : i1
        %convert_element_type3A_167 = arith.extui %and3A_166 : i1 to i32
        %cond3A_168 = arith.constant 0 : i32
        %cond3A_169 = arith.cmpi ne, %convert_element_type3A_167, %cond3A_168 : i32
        scf.if %cond3A_169 {
          %mul3A_211 = arith.constant 16 : i32
          %mul3A_212 = arith.muli %select_n3A_102, %mul3A_211 : i32
          %add3A_213 = arith.addi %mul3A_0, %mul3A_212 : i32
          %eq3A_214 = arith.constant 0 : i32
          %eq3A_215 = arith.cmpi eq, %select_n3A_118, %eq3A_214 : i32
          %convert_element_type3A_216 = arith.extui %eq3A_215 : i1 to i32
          %cond3A_217 = arith.constant 0 : i32
          %cond3A_218 = arith.cmpi ne, %convert_element_type3A_216, %cond3A_217 : i32
          scf.if %cond3A_218 {
            %dma_wait3A_224 = arith.constant 0 : i32
            %dma_wait3A_225 = arith.constant 0 : i32
            %dma_wait3A_226 = arith.constant 0 : i32
            %dma_wait3A_227 = tpu.memref_slice %arg10[%dma_wait3A_224, %dma_wait3A_225, %dma_wait3A_226] : memref<2x16x125xi32, #tpu.memory_space<vmem>> -> memref<1x16x125xi32, #tpu.memory_space<vmem>>
            %dma_wait3A_228 = tpu.memref_squeeze %dma_wait3A_227 : memref<1x16x125xi32, #tpu.memory_space<vmem>> -> memref<16x125xi32, #tpu.memory_space<vmem>>
            %dma_wait3A_229 = arith.constant 0 : i32
            %dma_wait3A_230 = tpu.memref_slice %arg5[%add3A_213, %dma_wait3A_229] : memref<1280x125xi32, #tpu.memory_space<hbm>> -> memref<16x125xi32, #tpu.memory_space<hbm>>
            %dma_wait3A_231 = arith.constant 0 : i32
            %dma_wait3A_232 = arith.constant 0 : i32
            %dma_wait3A_233 = tpu.memref_slice %arg10[%dma_wait3A_224, %dma_wait3A_231, %dma_wait3A_232] : memref<2x16x125xi32, #tpu.memory_space<vmem>> -> memref<1x16x125xi32, #tpu.memory_space<vmem>>
            %dma_wait3A_234 = tpu.memref_squeeze %dma_wait3A_233 : memref<1x16x125xi32, #tpu.memory_space<vmem>> -> memref<16x125xi32, #tpu.memory_space<vmem>>
            %dma_wait3A_235 = arith.constant 0 : i32
            %dma_wait3A_236 = tpu.memref_slice %arg5[%add3A_213, %dma_wait3A_235] : memref<1280x125xi32, #tpu.memory_space<hbm>> -> memref<16x125xi32, #tpu.memory_space<hbm>>
            tpu.wait_dma2 semaphore(%arg15 : memref<!tpu.dma_semaphore, #tpu.memory_space<semaphore_mem>>) src(%dma_wait3A_236 : memref<16x125xi32, #tpu.memory_space<hbm>>) dst(%dma_wait3A_234 : memref<16x125xi32, #tpu.memory_space<vmem>>)
          } else {
          }
          %eq3A_219 = arith.constant 1 : i32
          %eq3A_220 = arith.cmpi eq, %select_n3A_118, %eq3A_219 : i32
          %convert_element_type3A_221 = arith.extui %eq3A_220 : i1 to i32
          %cond3A_222 = arith.constant 0 : i32
          %cond3A_223 = arith.cmpi ne, %convert_element_type3A_221, %cond3A_222 : i32
          scf.if %cond3A_223 {
            %dma_wait3A_224 = arith.constant 1 : i32
            %dma_wait3A_225 = arith.constant 0 : i32
            %dma_wait3A_226 = arith.constant 0 : i32
            %dma_wait3A_227 = tpu.memref_slice %arg10[%dma_wait3A_224, %dma_wait3A_225, %dma_wait3A_226] : memref<2x16x125xi32, #tpu.memory_space<vmem>> -> memref<1x16x125xi32, #tpu.memory_space<vmem>>
            %dma_wait3A_228 = tpu.memref_squeeze %dma_wait3A_227 : memref<1x16x125xi32, #tpu.memory_space<vmem>> -> memref<16x125xi32, #tpu.memory_space<vmem>>
            %dma_wait3A_229 = arith.constant 0 : i32
            %dma_wait3A_230 = tpu.memref_slice %arg5[%add3A_213, %dma_wait3A_229] : memref<1280x125xi32, #tpu.memory_space<hbm>> -> memref<16x125xi32, #tpu.memory_space<hbm>>
            %dma_wait3A_231 = arith.constant 0 : i32
            %dma_wait3A_232 = arith.constant 0 : i32
            %dma_wait3A_233 = tpu.memref_slice %arg10[%dma_wait3A_224, %dma_wait3A_231, %dma_wait3A_232] : memref<2x16x125xi32, #tpu.memory_space<vmem>> -> memref<1x16x125xi32, #tpu.memory_space<vmem>>
            %dma_wait3A_234 = tpu.memref_squeeze %dma_wait3A_233 : memref<1x16x125xi32, #tpu.memory_space<vmem>> -> memref<16x125xi32, #tpu.memory_space<vmem>>
            %dma_wait3A_235 = arith.constant 0 : i32
            %dma_wait3A_236 = tpu.memref_slice %arg5[%add3A_213, %dma_wait3A_235] : memref<1280x125xi32, #tpu.memory_space<hbm>> -> memref<16x125xi32, #tpu.memory_space<hbm>>
            tpu.wait_dma2 semaphore(%arg16 : memref<!tpu.dma_semaphore, #tpu.memory_space<semaphore_mem>>) src(%dma_wait3A_236 : memref<16x125xi32, #tpu.memory_space<hbm>>) dst(%dma_wait3A_234 : memref<16x125xi32, #tpu.memory_space<vmem>>)
          } else {
          }
        } else {
        }
        %lt3A_170 = arith.constant 79 : i32
        %lt3A_171 = arith.cmpi slt, %scan3A_54, %lt3A_170 : i32
        %convert_element_type3A_172 = arith.extui %lt3A_171 : i1 to i32
        %cond3A_173 = arith.constant 0 : i32
        %cond3A_174 = arith.cmpi ne, %convert_element_type3A_172, %cond3A_173 : i32
        scf.if %cond3A_174 {
          %add3A_211 = arith.constant 1 : i32
          %add3A_212 = arith.addi %scan3A_54, %add3A_211 : i32
          %eq3A_213 = arith.constant 0 : i32
          %eq3A_214 = arith.cmpi eq, %select_n3A_81, %eq3A_213 : i32
          %convert_element_type3A_215 = arith.extui %eq3A_214 : i1 to i32
          %cond3A_216 = arith.constant 0 : i32
          %cond3A_217 = arith.cmpi ne, %convert_element_type3A_215, %cond3A_216 : i32
          scf.if %cond3A_217 {
            %dma_start3A_223 = arith.constant 0 : i32
            %dma_start3A_224 = arith.constant 0 : i32
            %dma_start3A_225 = arith.constant 0 : i32
            %dma_start3A_226 = tpu.memref_slice %arg11[%dma_start3A_223, %dma_start3A_224, %dma_start3A_225] : memref<2x125x128xf32, #tpu.memory_space<vmem>> -> memref<1x125x128xf32, #tpu.memory_space<vmem>>
            %dma_start3A_227 = tpu.memref_squeeze %dma_start3A_226 : memref<1x125x128xf32, #tpu.memory_space<vmem>> -> memref<125x128xf32, #tpu.memory_space<vmem>>
            %dma_start3A_228 = arith.constant 0 : i32
            %dma_start3A_229 = tpu.memref_slice %arg9[%add3A_212, %dma_start3A_228] : memref<80x125xi32, #tpu.memory_space<vmem>> -> memref<1x125xi32, #tpu.memory_space<vmem>>
            %dma_start3A_230 = tpu.memref_squeeze %dma_start3A_229 : memref<1x125xi32, #tpu.memory_space<vmem>> -> memref<125xi32, #tpu.memory_space<vmem>>
            %dma_start3A_231 = arith.constant 0 : i32
            %dma_start3A_232 = arith.constant 0 : i32
            %dma_start3A_233 = tpu.memref_slice %arg2[%dma_start3A_231, %dma_start3A_232] : memref<10000x128xf32, #tpu.memory_space<hbm>> -> memref<10000x128xf32, #tpu.memory_space<hbm>>
            tpu.enqueue_indirect_dma source(%dma_start3A_233 : memref<10000x128xf32, #tpu.memory_space<hbm>>) target(%dma_start3A_227 : memref<125x128xf32, #tpu.memory_space<vmem>>) offsets(%dma_start3A_230 : memref<125xi32, #tpu.memory_space<vmem>>) semaphore(%arg13 : memref<!tpu.dma_semaphore, #tpu.memory_space<semaphore_mem>>)
          } else {
          }
          %eq3A_218 = arith.constant 1 : i32
          %eq3A_219 = arith.cmpi eq, %select_n3A_81, %eq3A_218 : i32
          %convert_element_type3A_220 = arith.extui %eq3A_219 : i1 to i32
          %cond3A_221 = arith.constant 0 : i32
          %cond3A_222 = arith.cmpi ne, %convert_element_type3A_220, %cond3A_221 : i32
          scf.if %cond3A_222 {
            %dma_start3A_223 = arith.constant 1 : i32
            %dma_start3A_224 = arith.constant 0 : i32
            %dma_start3A_225 = arith.constant 0 : i32
            %dma_start3A_226 = tpu.memref_slice %arg11[%dma_start3A_223, %dma_start3A_224, %dma_start3A_225] : memref<2x125x128xf32, #tpu.memory_space<vmem>> -> memref<1x125x128xf32, #tpu.memory_space<vmem>>
            %dma_start3A_227 = tpu.memref_squeeze %dma_start3A_226 : memref<1x125x128xf32, #tpu.memory_space<vmem>> -> memref<125x128xf32, #tpu.memory_space<vmem>>
            %dma_start3A_228 = arith.constant 0 : i32
            %dma_start3A_229 = tpu.memref_slice %arg9[%add3A_212, %dma_start3A_228] : memref<80x125xi32, #tpu.memory_space<vmem>> -> memref<1x125xi32, #tpu.memory_space<vmem>>
            %dma_start3A_230 = tpu.memref_squeeze %dma_start3A_229 : memref<1x125xi32, #tpu.memory_space<vmem>> -> memref<125xi32, #tpu.memory_space<vmem>>
            %dma_start3A_231 = arith.constant 0 : i32
            %dma_start3A_232 = arith.constant 0 : i32
            %dma_start3A_233 = tpu.memref_slice %arg2[%dma_start3A_231, %dma_start3A_232] : memref<10000x128xf32, #tpu.memory_space<hbm>> -> memref<10000x128xf32, #tpu.memory_space<hbm>>
            tpu.enqueue_indirect_dma source(%dma_start3A_233 : memref<10000x128xf32, #tpu.memory_space<hbm>>) target(%dma_start3A_227 : memref<125x128xf32, #tpu.memory_space<vmem>>) offsets(%dma_start3A_230 : memref<125xi32, #tpu.memory_space<vmem>>) semaphore(%arg14 : memref<!tpu.dma_semaphore, #tpu.memory_space<semaphore_mem>>)
          } else {
          }
        } else {
        }
        %eq3A_175 = arith.constant 0 : i32
        %eq3A_176 = arith.cmpi eq, %select_n3A_63, %eq3A_175 : i32
        %convert_element_type3A_177 = arith.extui %eq3A_176 : i1 to i32
        %cond3A_178 = arith.constant 0 : i32
        %cond3A_179 = arith.cmpi ne, %convert_element_type3A_177, %cond3A_178 : i32
        scf.if %cond3A_179 {
          %dma_wait3A_211 = arith.constant 0 : i32
          %dma_wait3A_212 = arith.constant 0 : i32
          %dma_wait3A_213 = arith.constant 0 : i32
          %dma_wait3A_214 = tpu.memref_slice %arg11[%dma_wait3A_211, %dma_wait3A_212, %dma_wait3A_213] : memref<2x125x128xf32, #tpu.memory_space<vmem>> -> memref<1x125x128xf32, #tpu.memory_space<vmem>>
          %dma_wait3A_215 = tpu.memref_squeeze %dma_wait3A_214 : memref<1x125x128xf32, #tpu.memory_space<vmem>> -> memref<125x128xf32, #tpu.memory_space<vmem>>
          %dma_wait3A_216 = arith.constant 0 : i32
          %dma_wait3A_217 = tpu.memref_slice %arg9[%scan3A_54, %dma_wait3A_216] : memref<80x125xi32, #tpu.memory_space<vmem>> -> memref<1x125xi32, #tpu.memory_space<vmem>>
          %dma_wait3A_218 = tpu.memref_squeeze %dma_wait3A_217 : memref<1x125xi32, #tpu.memory_space<vmem>> -> memref<125xi32, #tpu.memory_space<vmem>>
          %dma_wait3A_219 = arith.constant 0 : i32
          %dma_wait3A_220 = arith.constant 0 : i32
          %dma_wait3A_221 = tpu.memref_slice %arg2[%dma_wait3A_219, %dma_wait3A_220] : memref<10000x128xf32, #tpu.memory_space<hbm>> -> memref<10000x128xf32, #tpu.memory_space<hbm>>
          tpu.wait_indirect_dma semaphore(%arg13 : memref<!tpu.dma_semaphore, #tpu.memory_space<semaphore_mem>>) src(%dma_wait3A_221 : memref<10000x128xf32, #tpu.memory_space<hbm>>) dst(%dma_wait3A_215 : memref<125x128xf32, #tpu.memory_space<vmem>>)
        } else {
        }
        %eq3A_180 = arith.constant 1 : i32
        %eq3A_181 = arith.cmpi eq, %select_n3A_63, %eq3A_180 : i32
        %convert_element_type3A_182 = arith.extui %eq3A_181 : i1 to i32
        %cond3A_183 = arith.constant 0 : i32
        %cond3A_184 = arith.cmpi ne, %convert_element_type3A_182, %cond3A_183 : i32
        scf.if %cond3A_184 {
          %dma_wait3A_211 = arith.constant 1 : i32
          %dma_wait3A_212 = arith.constant 0 : i32
          %dma_wait3A_213 = arith.constant 0 : i32
          %dma_wait3A_214 = tpu.memref_slice %arg11[%dma_wait3A_211, %dma_wait3A_212, %dma_wait3A_213] : memref<2x125x128xf32, #tpu.memory_space<vmem>> -> memref<1x125x128xf32, #tpu.memory_space<vmem>>
          %dma_wait3A_215 = tpu.memref_squeeze %dma_wait3A_214 : memref<1x125x128xf32, #tpu.memory_space<vmem>> -> memref<125x128xf32, #tpu.memory_space<vmem>>
          %dma_wait3A_216 = arith.constant 0 : i32
          %dma_wait3A_217 = tpu.memref_slice %arg9[%scan3A_54, %dma_wait3A_216] : memref<80x125xi32, #tpu.memory_space<vmem>> -> memref<1x125xi32, #tpu.memory_space<vmem>>
          %dma_wait3A_218 = tpu.memref_squeeze %dma_wait3A_217 : memref<1x125xi32, #tpu.memory_space<vmem>> -> memref<125xi32, #tpu.memory_space<vmem>>
          %dma_wait3A_219 = arith.constant 0 : i32
          %dma_wait3A_220 = arith.constant 0 : i32
          %dma_wait3A_221 = tpu.memref_slice %arg2[%dma_wait3A_219, %dma_wait3A_220] : memref<10000x128xf32, #tpu.memory_space<hbm>> -> memref<10000x128xf32, #tpu.memory_space<hbm>>
          tpu.wait_indirect_dma semaphore(%arg14 : memref<!tpu.dma_semaphore, #tpu.memory_space<semaphore_mem>>) src(%dma_wait3A_221 : memref<10000x128xf32, #tpu.memory_space<hbm>>) dst(%dma_wait3A_215 : memref<125x128xf32, #tpu.memory_space<vmem>>)
        } else {
        }
        %jit3A_185 = arith.constant 16 : i32
        %eq3A_186 = arith.constant 0 : i32
        %eq3A_187 = arith.cmpi eq, %jit3A_185, %eq3A_186 : i32
        %jit3A_188 = arith.constant 1 : i32
        %select_n3A_189 = arith.select %eq3A_187, %jit3A_188, %jit3A_185 : i32
        %rem3A_190 = arith.remsi %scan3A_54, %select_n3A_189 : i32
        %ne3A_191 = arith.constant 0 : i32
        %ne3A_192 = arith.cmpi ne, %rem3A_190, %ne3A_191 : i32
        %lt3A_193 = arith.constant 0 : i32
        %lt3A_194 = arith.cmpi slt, %rem3A_190, %lt3A_193 : i32
        %lt3A_195 = arith.constant 0 : i32
        %lt3A_196 = arith.cmpi slt, %select_n3A_189, %lt3A_195 : i32
        %ne3A_197 = arith.xori %lt3A_194, %lt3A_196 : i1
        %and3A_198 = arith.andi %ne3A_197, %ne3A_192 : i1
        %add3A_199 = arith.addi %rem3A_190, %select_n3A_189 : i32
        %select_n3A_200 = arith.select %and3A_198, %add3A_199, %rem3A_190 : i32
        %eq3A_201 = arith.constant 0 : i32
        %eq3A_202 = arith.cmpi eq, %select_n3A_63, %eq3A_201 : i32
        %convert_element_type3A_203 = arith.extui %eq3A_202 : i1 to i32
        %cond3A_204 = arith.constant 0 : i32
        %cond3A_205 = arith.cmpi ne, %convert_element_type3A_203, %cond3A_204 : i32
        scf.if %cond3A_205 {
          %dma_start3A_211 = arith.constant 0 : i32
          %dma_start3A_212 = arith.constant 0 : i32
          %dma_start3A_213 = arith.constant 0 : i32
          %dma_start3A_214 = tpu.memref_slice %arg11[%dma_start3A_211, %dma_start3A_212, %dma_start3A_213] : memref<2x125x128xf32, #tpu.memory_space<vmem>> -> memref<1x125x128xf32, #tpu.memory_space<vmem>>
          %dma_start3A_215 = tpu.memref_squeeze %dma_start3A_214 : memref<1x125x128xf32, #tpu.memory_space<vmem>> -> memref<125x128xf32, #tpu.memory_space<vmem>>
          %dma_start3A_216 = arith.constant 0 : i32
          %dma_start3A_217 = tpu.memref_slice %arg10[%select_n3A_118, %select_n3A_200, %dma_start3A_216] : memref<2x16x125xi32, #tpu.memory_space<vmem>> -> memref<1x1x125xi32, #tpu.memory_space<vmem>>
          %dma_start3A_218 = tpu.memref_squeeze %dma_start3A_217 : memref<1x1x125xi32, #tpu.memory_space<vmem>> -> memref<125xi32, #tpu.memory_space<vmem>>
          %dma_start3A_219 = arith.constant 0 : i32
          %dma_start3A_220 = arith.constant 0 : i32
          %dma_start3A_221 = tpu.memref_slice %arg12[%dma_start3A_219, %dma_start3A_220] : memref<10000x128xf32, #tpu.memory_space<vmem_shared>> -> memref<10000x128xf32, #tpu.memory_space<vmem_shared>>
          tpu.enqueue_indirect_dma source(%dma_start3A_215 : memref<125x128xf32, #tpu.memory_space<vmem>>) target(%dma_start3A_221 : memref<10000x128xf32, #tpu.memory_space<vmem_shared>>) offsets(%dma_start3A_218 : memref<125xi32, #tpu.memory_space<vmem>>) semaphore(%arg17 : memref<!tpu.dma_semaphore, #tpu.memory_space<semaphore_mem>>) {add = true}
        } else {
        }
        %eq3A_206 = arith.constant 1 : i32
        %eq3A_207 = arith.cmpi eq, %select_n3A_63, %eq3A_206 : i32
        %convert_element_type3A_208 = arith.extui %eq3A_207 : i1 to i32
        %cond3A_209 = arith.constant 0 : i32
        %cond3A_210 = arith.cmpi ne, %convert_element_type3A_208, %cond3A_209 : i32
        scf.if %cond3A_210 {
          %dma_start3A_211 = arith.constant 1 : i32
          %dma_start3A_212 = arith.constant 0 : i32
          %dma_start3A_213 = arith.constant 0 : i32
          %dma_start3A_214 = tpu.memref_slice %arg11[%dma_start3A_211, %dma_start3A_212, %dma_start3A_213] : memref<2x125x128xf32, #tpu.memory_space<vmem>> -> memref<1x125x128xf32, #tpu.memory_space<vmem>>
          %dma_start3A_215 = tpu.memref_squeeze %dma_start3A_214 : memref<1x125x128xf32, #tpu.memory_space<vmem>> -> memref<125x128xf32, #tpu.memory_space<vmem>>
          %dma_start3A_216 = arith.constant 0 : i32
          %dma_start3A_217 = tpu.memref_slice %arg10[%select_n3A_118, %select_n3A_200, %dma_start3A_216] : memref<2x16x125xi32, #tpu.memory_space<vmem>> -> memref<1x1x125xi32, #tpu.memory_space<vmem>>
          %dma_start3A_218 = tpu.memref_squeeze %dma_start3A_217 : memref<1x1x125xi32, #tpu.memory_space<vmem>> -> memref<125xi32, #tpu.memory_space<vmem>>
          %dma_start3A_219 = arith.constant 0 : i32
          %dma_start3A_220 = arith.constant 0 : i32
          %dma_start3A_221 = tpu.memref_slice %arg12[%dma_start3A_219, %dma_start3A_220] : memref<10000x128xf32, #tpu.memory_space<vmem_shared>> -> memref<10000x128xf32, #tpu.memory_space<vmem_shared>>
          tpu.enqueue_indirect_dma source(%dma_start3A_215 : memref<125x128xf32, #tpu.memory_space<vmem>>) target(%dma_start3A_221 : memref<10000x128xf32, #tpu.memory_space<vmem_shared>>) offsets(%dma_start3A_218 : memref<125xi32, #tpu.memory_space<vmem>>) semaphore(%arg18 : memref<!tpu.dma_semaphore, #tpu.memory_space<semaphore_mem>>) {add = true}
        } else {
        }
      }
      %scan3A_41 = arith.constant 80 : i32
      %dma_wait3A = arith.constant 1 : i32
      %dma_wait3A_42 = arith.constant 0 : i32
      %dma_wait3A_43 = arith.constant 0 : i32
      %dma_wait3A_44 = arith.constant 0 : i32
      %dma_wait3A_45 = arith.constant 0 : i32
      %dma_wait3A_46 = tpu.memref_slice %arg11[%dma_wait3A, %dma_wait3A_44, %dma_wait3A_45] : memref<2x125x128xf32, #tpu.memory_space<vmem>> -> memref<1x125x128xf32, #tpu.memory_space<vmem>>
      %dma_wait3A_47 = tpu.memref_squeeze %dma_wait3A_46 : memref<1x125x128xf32, #tpu.memory_space<vmem>> -> memref<125x128xf32, #tpu.memory_space<vmem>>
      %dma_wait3A_48 = arith.constant 0 : i32
      %dma_wait3A_49 = tpu.memref_slice %arg10[%dma_wait3A_42, %dma_wait3A_43, %dma_wait3A_48] : memref<2x16x125xi32, #tpu.memory_space<vmem>> -> memref<1x1x125xi32, #tpu.memory_space<vmem>>
      %dma_wait3A_50 = tpu.memref_squeeze %dma_wait3A_49 : memref<1x1x125xi32, #tpu.memory_space<vmem>> -> memref<125xi32, #tpu.memory_space<vmem>>
      %dma_wait3A_51 = arith.constant 0 : i32
      %dma_wait3A_52 = arith.constant 0 : i32
      %dma_wait3A_53 = tpu.memref_slice %arg12[%dma_wait3A_51, %dma_wait3A_52] : memref<10000x128xf32, #tpu.memory_space<vmem_shared>> -> memref<10000x128xf32, #tpu.memory_space<vmem_shared>>
      tpu.wait_indirect_dma semaphore(%arg18 : memref<!tpu.dma_semaphore, #tpu.memory_space<semaphore_mem>>) src(%dma_wait3A_47 : memref<125x128xf32, #tpu.memory_space<vmem>>) dst(%dma_wait3A_53 : memref<10000x128xf32, #tpu.memory_space<vmem_shared>>)
    } else {
    }
    %eq3A_10 = arith.constant 1 : i32
    %eq3A_11 = arith.cmpi eq, %arg0, %eq3A_10 : i32
    %convert_element_type3A_12 = arith.extui %eq3A_11 : i1 to i32
    %cond3A_13 = arith.constant 0 : i32
    %cond3A_14 = arith.cmpi ne, %convert_element_type3A_12, %cond3A_13 : i32
    scf.if %cond3A_14 {
      %dma_start3A = arith.constant 0 : i32
      %dma_start3A_26 = arith.constant 0 : i32
      %dma_start3A_27 = arith.constant 0 : i32
      %dma_start3A_28 = arith.constant 0 : i32
      %dma_start3A_29 = tpu.memref_slice %arg11[%dma_start3A_26, %dma_start3A_27, %dma_start3A_28] : memref<2x125x128xf32, #tpu.memory_space<vmem>> -> memref<1x125x128xf32, #tpu.memory_space<vmem>>
      %dma_start3A_30 = tpu.memref_squeeze %dma_start3A_29 : memref<1x125x128xf32, #tpu.memory_space<vmem>> -> memref<125x128xf32, #tpu.memory_space<vmem>>
      %dma_start3A_31 = arith.constant 0 : i32
      %dma_start3A_32 = tpu.memref_slice %arg9[%dma_start3A, %dma_start3A_31] : memref<80x125xi32, #tpu.memory_space<vmem>> -> memref<1x125xi32, #tpu.memory_space<vmem>>
      %dma_start3A_33 = tpu.memref_squeeze %dma_start3A_32 : memref<1x125xi32, #tpu.memory_space<vmem>> -> memref<125xi32, #tpu.memory_space<vmem>>
      %dma_start3A_34 = arith.constant 0 : i32
      %dma_start3A_35 = arith.constant 0 : i32
      %dma_start3A_36 = tpu.memref_slice %arg3[%dma_start3A_34, %dma_start3A_35] : memref<10000x128xf32, #tpu.memory_space<hbm>> -> memref<10000x128xf32, #tpu.memory_space<hbm>>
      tpu.enqueue_indirect_dma source(%dma_start3A_36 : memref<10000x128xf32, #tpu.memory_space<hbm>>) target(%dma_start3A_30 : memref<125x128xf32, #tpu.memory_space<vmem>>) offsets(%dma_start3A_33 : memref<125xi32, #tpu.memory_space<vmem>>) semaphore(%arg13 : memref<!tpu.dma_semaphore, #tpu.memory_space<semaphore_mem>>)
      %scan3A = arith.constant 0 : i32
      %scan3A_37 = arith.constant 0 : i32
      %scan3A_38 = arith.constant 80 : i32
      %scan3A_39 = arith.addi %scan3A_37, %scan3A_38 : i32
      %scan3A_40 = arith.constant 1 : i32
      scf.for %scan3A_54 = %scan3A_37 to %scan3A_39 step %scan3A_40  : i32 {
        %jit3A = arith.constant 2 : i32
        %eq3A_55 = arith.constant 0 : i32
        %eq3A_56 = arith.cmpi eq, %jit3A, %eq3A_55 : i32
        %jit3A_57 = arith.constant 1 : i32
        %select_n3A = arith.select %eq3A_56, %jit3A_57, %jit3A : i32
        %rem3A = arith.remsi %scan3A_54, %select_n3A : i32
        %ne3A = arith.constant 0 : i32
        %ne3A_58 = arith.cmpi ne, %rem3A, %ne3A : i32
        %lt3A = arith.constant 0 : i32
        %lt3A_59 = arith.cmpi slt, %rem3A, %lt3A : i32
        %lt3A_60 = arith.constant 0 : i32
        %lt3A_61 = arith.cmpi slt, %select_n3A, %lt3A_60 : i32
        %ne3A_62 = arith.xori %lt3A_59, %lt3A_61 : i1
        %and3A = arith.andi %ne3A_62, %ne3A_58 : i1
        %add3A = arith.addi %rem3A, %select_n3A : i32
        %select_n3A_63 = arith.select %and3A, %add3A, %rem3A : i32
        %add3A_64 = arith.constant 1 : i32
        %add3A_65 = arith.addi %scan3A_54, %add3A_64 : i32
        %jit3A_66 = arith.constant 2 : i32
        %eq3A_67 = arith.constant 0 : i32
        %eq3A_68 = arith.cmpi eq, %jit3A_66, %eq3A_67 : i32
        %jit3A_69 = arith.constant 1 : i32
        %select_n3A_70 = arith.select %eq3A_68, %jit3A_69, %jit3A_66 : i32
        %rem3A_71 = arith.remsi %add3A_65, %select_n3A_70 : i32
        %ne3A_72 = arith.constant 0 : i32
        %ne3A_73 = arith.cmpi ne, %rem3A_71, %ne3A_72 : i32
        %lt3A_74 = arith.constant 0 : i32
        %lt3A_75 = arith.cmpi slt, %rem3A_71, %lt3A_74 : i32
        %lt3A_76 = arith.constant 0 : i32
        %lt3A_77 = arith.cmpi slt, %select_n3A_70, %lt3A_76 : i32
        %ne3A_78 = arith.xori %lt3A_75, %lt3A_77 : i1
        %and3A_79 = arith.andi %ne3A_78, %ne3A_73 : i1
        %add3A_80 = arith.addi %rem3A_71, %select_n3A_70 : i32
        %select_n3A_81 = arith.select %and3A_79, %add3A_80, %rem3A_71 : i32
        %jit3A_82 = arith.constant 16 : i32
        %div3A = arith.divsi %scan3A_54, %jit3A_82 : i32
        %sign3A = arith.constant 0 : i32
        %sign3A_83 = arith.cmpi sgt, %scan3A_54, %sign3A : i32
        %sign3A_84 = arith.extui %sign3A_83 : i1 to i32
        %sign3A_85 = arith.constant 0 : i32
        %sign3A_86 = arith.cmpi slt, %scan3A_54, %sign3A_85 : i32
        %sign3A_87 = arith.extui %sign3A_86 : i1 to i32
        %sign3A_88 = arith.subi %sign3A_84, %sign3A_87 : i32
        %sign3A_89 = arith.constant 0 : i32
        %sign3A_90 = arith.cmpi sgt, %jit3A_82, %sign3A_89 : i32
        %sign3A_91 = arith.extui %sign3A_90 : i1 to i32
        %sign3A_92 = arith.constant 0 : i32
        %sign3A_93 = arith.cmpi slt, %jit3A_82, %sign3A_92 : i32
        %sign3A_94 = arith.extui %sign3A_93 : i1 to i32
        %sign3A_95 = arith.subi %sign3A_91, %sign3A_94 : i32
        %ne3A_96 = arith.cmpi ne, %sign3A_88, %sign3A_95 : i32
        %rem3A_97 = arith.remsi %scan3A_54, %jit3A_82 : i32
        %ne3A_98 = arith.constant 0 : i32
        %ne3A_99 = arith.cmpi ne, %rem3A_97, %ne3A_98 : i32
        %and3A_100 = arith.andi %ne3A_96, %ne3A_99 : i1
        %sub3A = arith.constant 1 : i32
        %sub3A_101 = arith.subi %div3A, %sub3A : i32
        %select_n3A_102 = arith.select %and3A_100, %sub3A_101, %div3A : i32
        %jit3A_103 = arith.constant 2 : i32
        %eq3A_104 = arith.constant 0 : i32
        %eq3A_105 = arith.cmpi eq, %jit3A_103, %eq3A_104 : i32
        %jit3A_106 = arith.constant 1 : i32
        %select_n3A_107 = arith.select %eq3A_105, %jit3A_106, %jit3A_103 : i32
        %rem3A_108 = arith.remsi %select_n3A_102, %select_n3A_107 : i32
        %ne3A_109 = arith.constant 0 : i32
        %ne3A_110 = arith.cmpi ne, %rem3A_108, %ne3A_109 : i32
        %lt3A_111 = arith.constant 0 : i32
        %lt3A_112 = arith.cmpi slt, %rem3A_108, %lt3A_111 : i32
        %lt3A_113 = arith.constant 0 : i32
        %lt3A_114 = arith.cmpi slt, %select_n3A_107, %lt3A_113 : i32
        %ne3A_115 = arith.xori %lt3A_112, %lt3A_114 : i1
        %and3A_116 = arith.andi %ne3A_115, %ne3A_110 : i1
        %add3A_117 = arith.addi %rem3A_108, %select_n3A_107 : i32
        %select_n3A_118 = arith.select %and3A_116, %add3A_117, %rem3A_108 : i32
        %ge3A = arith.constant 1 : i32
        %ge3A_119 = arith.cmpi sge, %scan3A_54, %ge3A : i32
        %convert_element_type3A_120 = arith.extui %ge3A_119 : i1 to i32
        %cond3A_121 = arith.constant 0 : i32
        %cond3A_122 = arith.cmpi ne, %convert_element_type3A_120, %cond3A_121 : i32
        scf.if %cond3A_122 {
          %eq3A_211 = arith.constant 0 : i32
          %eq3A_212 = arith.cmpi eq, %select_n3A_81, %eq3A_211 : i32
          %convert_element_type3A_213 = arith.extui %eq3A_212 : i1 to i32
          %cond3A_214 = arith.constant 0 : i32
          %cond3A_215 = arith.constant 0 : i32
          %cond3A_216 = arith.cmpi ne, %convert_element_type3A_213, %cond3A_215 : i32
          scf.if %cond3A_216 {
            %dma_wait3A_223 = arith.constant 0 : i32
            %dma_wait3A_224 = arith.constant 0 : i32
            %dma_wait3A_225 = arith.constant 0 : i32
            %dma_wait3A_226 = tpu.memref_slice %arg11[%dma_wait3A_223, %dma_wait3A_224, %dma_wait3A_225] : memref<2x125x128xf32, #tpu.memory_space<vmem>> -> memref<1x125x128xf32, #tpu.memory_space<vmem>>
            %dma_wait3A_227 = tpu.memref_squeeze %dma_wait3A_226 : memref<1x125x128xf32, #tpu.memory_space<vmem>> -> memref<125x128xf32, #tpu.memory_space<vmem>>
            %dma_wait3A_228 = arith.constant 0 : i32
            %dma_wait3A_229 = tpu.memref_slice %arg10[%select_n3A_118, %cond3A_214, %dma_wait3A_228] : memref<2x16x125xi32, #tpu.memory_space<vmem>> -> memref<1x1x125xi32, #tpu.memory_space<vmem>>
            %dma_wait3A_230 = tpu.memref_squeeze %dma_wait3A_229 : memref<1x1x125xi32, #tpu.memory_space<vmem>> -> memref<125xi32, #tpu.memory_space<vmem>>
            %dma_wait3A_231 = arith.constant 0 : i32
            %dma_wait3A_232 = arith.constant 0 : i32
            %dma_wait3A_233 = tpu.memref_slice %arg12[%dma_wait3A_231, %dma_wait3A_232] : memref<10000x128xf32, #tpu.memory_space<vmem_shared>> -> memref<10000x128xf32, #tpu.memory_space<vmem_shared>>
            tpu.wait_indirect_dma semaphore(%arg17 : memref<!tpu.dma_semaphore, #tpu.memory_space<semaphore_mem>>) src(%dma_wait3A_227 : memref<125x128xf32, #tpu.memory_space<vmem>>) dst(%dma_wait3A_233 : memref<10000x128xf32, #tpu.memory_space<vmem_shared>>)
          } else {
          }
          %eq3A_217 = arith.constant 1 : i32
          %eq3A_218 = arith.cmpi eq, %select_n3A_81, %eq3A_217 : i32
          %convert_element_type3A_219 = arith.extui %eq3A_218 : i1 to i32
          %cond3A_220 = arith.constant 0 : i32
          %cond3A_221 = arith.constant 0 : i32
          %cond3A_222 = arith.cmpi ne, %convert_element_type3A_219, %cond3A_221 : i32
          scf.if %cond3A_222 {
            %dma_wait3A_223 = arith.constant 1 : i32
            %dma_wait3A_224 = arith.constant 0 : i32
            %dma_wait3A_225 = arith.constant 0 : i32
            %dma_wait3A_226 = tpu.memref_slice %arg11[%dma_wait3A_223, %dma_wait3A_224, %dma_wait3A_225] : memref<2x125x128xf32, #tpu.memory_space<vmem>> -> memref<1x125x128xf32, #tpu.memory_space<vmem>>
            %dma_wait3A_227 = tpu.memref_squeeze %dma_wait3A_226 : memref<1x125x128xf32, #tpu.memory_space<vmem>> -> memref<125x128xf32, #tpu.memory_space<vmem>>
            %dma_wait3A_228 = arith.constant 0 : i32
            %dma_wait3A_229 = tpu.memref_slice %arg10[%select_n3A_118, %cond3A_220, %dma_wait3A_228] : memref<2x16x125xi32, #tpu.memory_space<vmem>> -> memref<1x1x125xi32, #tpu.memory_space<vmem>>
            %dma_wait3A_230 = tpu.memref_squeeze %dma_wait3A_229 : memref<1x1x125xi32, #tpu.memory_space<vmem>> -> memref<125xi32, #tpu.memory_space<vmem>>
            %dma_wait3A_231 = arith.constant 0 : i32
            %dma_wait3A_232 = arith.constant 0 : i32
            %dma_wait3A_233 = tpu.memref_slice %arg12[%dma_wait3A_231, %dma_wait3A_232] : memref<10000x128xf32, #tpu.memory_space<vmem_shared>> -> memref<10000x128xf32, #tpu.memory_space<vmem_shared>>
            tpu.wait_indirect_dma semaphore(%arg18 : memref<!tpu.dma_semaphore, #tpu.memory_space<semaphore_mem>>) src(%dma_wait3A_227 : memref<125x128xf32, #tpu.memory_space<vmem>>) dst(%dma_wait3A_233 : memref<10000x128xf32, #tpu.memory_space<vmem_shared>>)
          } else {
          }
        } else {
        }
        %jit3A_123 = arith.constant 16 : i32
        %eq3A_124 = arith.constant 0 : i32
        %eq3A_125 = arith.cmpi eq, %jit3A_123, %eq3A_124 : i32
        %jit3A_126 = arith.constant 1 : i32
        %select_n3A_127 = arith.select %eq3A_125, %jit3A_126, %jit3A_123 : i32
        %rem3A_128 = arith.remsi %scan3A_54, %select_n3A_127 : i32
        %ne3A_129 = arith.constant 0 : i32
        %ne3A_130 = arith.cmpi ne, %rem3A_128, %ne3A_129 : i32
        %lt3A_131 = arith.constant 0 : i32
        %lt3A_132 = arith.cmpi slt, %rem3A_128, %lt3A_131 : i32
        %lt3A_133 = arith.constant 0 : i32
        %lt3A_134 = arith.cmpi slt, %select_n3A_127, %lt3A_133 : i32
        %ne3A_135 = arith.xori %lt3A_132, %lt3A_134 : i1
        %and3A_136 = arith.andi %ne3A_135, %ne3A_130 : i1
        %add3A_137 = arith.addi %rem3A_128, %select_n3A_127 : i32
        %select_n3A_138 = arith.select %and3A_136, %add3A_137, %rem3A_128 : i32
        %eq3A_139 = arith.constant 0 : i32
        %eq3A_140 = arith.cmpi eq, %select_n3A_138, %eq3A_139 : i32
        %lt3A_141 = arith.constant 4 : i32
        %lt3A_142 = arith.cmpi slt, %select_n3A_102, %lt3A_141 : i32
        %and3A_143 = arith.andi %eq3A_140, %lt3A_142 : i1
        %convert_element_type3A_144 = arith.extui %and3A_143 : i1 to i32
        %cond3A_145 = arith.constant 0 : i32
        %cond3A_146 = arith.cmpi ne, %convert_element_type3A_144, %cond3A_145 : i32
        scf.if %cond3A_146 {
          %add3A_211 = arith.constant 1 : i32
          %add3A_212 = arith.addi %select_n3A_102, %add3A_211 : i32
          %mul3A_213 = arith.constant 16 : i32
          %mul3A_214 = arith.muli %add3A_212, %mul3A_213 : i32
          %add3A_215 = arith.addi %mul3A_0, %mul3A_214 : i32
          %eq3A_216 = arith.constant 0 : i32
          %eq3A_217 = arith.cmpi eq, %select_n3A_118, %eq3A_216 : i32
          %convert_element_type3A_218 = arith.extui %eq3A_217 : i1 to i32
          %cond3A_219 = arith.constant 0 : i32
          %cond3A_220 = arith.cmpi ne, %convert_element_type3A_218, %cond3A_219 : i32
          scf.if %cond3A_220 {
            %dma_start3A_226 = arith.constant 1 : i32
            %dma_start3A_227 = arith.constant 0 : i32
            %dma_start3A_228 = arith.constant 0 : i32
            %dma_start3A_229 = tpu.memref_slice %arg10[%dma_start3A_226, %dma_start3A_227, %dma_start3A_228] : memref<2x16x125xi32, #tpu.memory_space<vmem>> -> memref<1x16x125xi32, #tpu.memory_space<vmem>>
            %dma_start3A_230 = tpu.memref_squeeze %dma_start3A_229 : memref<1x16x125xi32, #tpu.memory_space<vmem>> -> memref<16x125xi32, #tpu.memory_space<vmem>>
            %dma_start3A_231 = arith.constant 0 : i32
            %dma_start3A_232 = tpu.memref_slice %arg5[%add3A_215, %dma_start3A_231] : memref<1280x125xi32, #tpu.memory_space<hbm>> -> memref<16x125xi32, #tpu.memory_space<hbm>>
            %dma_start3A_233 = arith.constant 0 : i32
            %dma_start3A_234 = arith.constant 0 : i32
            %dma_start3A_235 = tpu.memref_slice %arg10[%dma_start3A_226, %dma_start3A_233, %dma_start3A_234] : memref<2x16x125xi32, #tpu.memory_space<vmem>> -> memref<1x16x125xi32, #tpu.memory_space<vmem>>
            %dma_start3A_236 = tpu.memref_squeeze %dma_start3A_235 : memref<1x16x125xi32, #tpu.memory_space<vmem>> -> memref<16x125xi32, #tpu.memory_space<vmem>>
            %dma_start3A_237 = arith.constant 0 : i32
            %dma_start3A_238 = tpu.memref_slice %arg5[%add3A_215, %dma_start3A_237] : memref<1280x125xi32, #tpu.memory_space<hbm>> -> memref<16x125xi32, #tpu.memory_space<hbm>>
            tpu.enqueue_dma source(%dma_start3A_238 : memref<16x125xi32, #tpu.memory_space<hbm>>) target(%dma_start3A_236 : memref<16x125xi32, #tpu.memory_space<vmem>>) target_semaphore(%arg16 : memref<!tpu.dma_semaphore, #tpu.memory_space<semaphore_mem>>)
          } else {
          }
          %eq3A_221 = arith.constant 1 : i32
          %eq3A_222 = arith.cmpi eq, %select_n3A_118, %eq3A_221 : i32
          %convert_element_type3A_223 = arith.extui %eq3A_222 : i1 to i32
          %cond3A_224 = arith.constant 0 : i32
          %cond3A_225 = arith.cmpi ne, %convert_element_type3A_223, %cond3A_224 : i32
          scf.if %cond3A_225 {
            %dma_start3A_226 = arith.constant 0 : i32
            %dma_start3A_227 = arith.constant 0 : i32
            %dma_start3A_228 = arith.constant 0 : i32
            %dma_start3A_229 = tpu.memref_slice %arg10[%dma_start3A_226, %dma_start3A_227, %dma_start3A_228] : memref<2x16x125xi32, #tpu.memory_space<vmem>> -> memref<1x16x125xi32, #tpu.memory_space<vmem>>
            %dma_start3A_230 = tpu.memref_squeeze %dma_start3A_229 : memref<1x16x125xi32, #tpu.memory_space<vmem>> -> memref<16x125xi32, #tpu.memory_space<vmem>>
            %dma_start3A_231 = arith.constant 0 : i32
            %dma_start3A_232 = tpu.memref_slice %arg5[%add3A_215, %dma_start3A_231] : memref<1280x125xi32, #tpu.memory_space<hbm>> -> memref<16x125xi32, #tpu.memory_space<hbm>>
            %dma_start3A_233 = arith.constant 0 : i32
            %dma_start3A_234 = arith.constant 0 : i32
            %dma_start3A_235 = tpu.memref_slice %arg10[%dma_start3A_226, %dma_start3A_233, %dma_start3A_234] : memref<2x16x125xi32, #tpu.memory_space<vmem>> -> memref<1x16x125xi32, #tpu.memory_space<vmem>>
            %dma_start3A_236 = tpu.memref_squeeze %dma_start3A_235 : memref<1x16x125xi32, #tpu.memory_space<vmem>> -> memref<16x125xi32, #tpu.memory_space<vmem>>
            %dma_start3A_237 = arith.constant 0 : i32
            %dma_start3A_238 = tpu.memref_slice %arg5[%add3A_215, %dma_start3A_237] : memref<1280x125xi32, #tpu.memory_space<hbm>> -> memref<16x125xi32, #tpu.memory_space<hbm>>
            tpu.enqueue_dma source(%dma_start3A_238 : memref<16x125xi32, #tpu.memory_space<hbm>>) target(%dma_start3A_236 : memref<16x125xi32, #tpu.memory_space<vmem>>) target_semaphore(%arg15 : memref<!tpu.dma_semaphore, #tpu.memory_space<semaphore_mem>>)
          } else {
          }
        } else {
        }
        %jit3A_147 = arith.constant 16 : i32
        %eq3A_148 = arith.constant 0 : i32
        %eq3A_149 = arith.cmpi eq, %jit3A_147, %eq3A_148 : i32
        %jit3A_150 = arith.constant 1 : i32
        %select_n3A_151 = arith.select %eq3A_149, %jit3A_150, %jit3A_147 : i32
        %rem3A_152 = arith.remsi %scan3A_54, %select_n3A_151 : i32
        %ne3A_153 = arith.constant 0 : i32
        %ne3A_154 = arith.cmpi ne, %rem3A_152, %ne3A_153 : i32
        %lt3A_155 = arith.constant 0 : i32
        %lt3A_156 = arith.cmpi slt, %rem3A_152, %lt3A_155 : i32
        %lt3A_157 = arith.constant 0 : i32
        %lt3A_158 = arith.cmpi slt, %select_n3A_151, %lt3A_157 : i32
        %ne3A_159 = arith.xori %lt3A_156, %lt3A_158 : i1
        %and3A_160 = arith.andi %ne3A_159, %ne3A_154 : i1
        %add3A_161 = arith.addi %rem3A_152, %select_n3A_151 : i32
        %select_n3A_162 = arith.select %and3A_160, %add3A_161, %rem3A_152 : i32
        %eq3A_163 = arith.constant 0 : i32
        %eq3A_164 = arith.cmpi eq, %select_n3A_162, %eq3A_163 : i32
        %gt3A = arith.constant 0 : i32
        %gt3A_165 = arith.cmpi sgt, %scan3A_54, %gt3A : i32
        %and3A_166 = arith.andi %eq3A_164, %gt3A_165 : i1
        %convert_element_type3A_167 = arith.extui %and3A_166 : i1 to i32
        %cond3A_168 = arith.constant 0 : i32
        %cond3A_169 = arith.cmpi ne, %convert_element_type3A_167, %cond3A_168 : i32
        scf.if %cond3A_169 {
          %mul3A_211 = arith.constant 16 : i32
          %mul3A_212 = arith.muli %select_n3A_102, %mul3A_211 : i32
          %add3A_213 = arith.addi %mul3A_0, %mul3A_212 : i32
          %eq3A_214 = arith.constant 0 : i32
          %eq3A_215 = arith.cmpi eq, %select_n3A_118, %eq3A_214 : i32
          %convert_element_type3A_216 = arith.extui %eq3A_215 : i1 to i32
          %cond3A_217 = arith.constant 0 : i32
          %cond3A_218 = arith.cmpi ne, %convert_element_type3A_216, %cond3A_217 : i32
          scf.if %cond3A_218 {
            %dma_wait3A_224 = arith.constant 0 : i32
            %dma_wait3A_225 = arith.constant 0 : i32
            %dma_wait3A_226 = arith.constant 0 : i32
            %dma_wait3A_227 = tpu.memref_slice %arg10[%dma_wait3A_224, %dma_wait3A_225, %dma_wait3A_226] : memref<2x16x125xi32, #tpu.memory_space<vmem>> -> memref<1x16x125xi32, #tpu.memory_space<vmem>>
            %dma_wait3A_228 = tpu.memref_squeeze %dma_wait3A_227 : memref<1x16x125xi32, #tpu.memory_space<vmem>> -> memref<16x125xi32, #tpu.memory_space<vmem>>
            %dma_wait3A_229 = arith.constant 0 : i32
            %dma_wait3A_230 = tpu.memref_slice %arg5[%add3A_213, %dma_wait3A_229] : memref<1280x125xi32, #tpu.memory_space<hbm>> -> memref<16x125xi32, #tpu.memory_space<hbm>>
            %dma_wait3A_231 = arith.constant 0 : i32
            %dma_wait3A_232 = arith.constant 0 : i32
            %dma_wait3A_233 = tpu.memref_slice %arg10[%dma_wait3A_224, %dma_wait3A_231, %dma_wait3A_232] : memref<2x16x125xi32, #tpu.memory_space<vmem>> -> memref<1x16x125xi32, #tpu.memory_space<vmem>>
            %dma_wait3A_234 = tpu.memref_squeeze %dma_wait3A_233 : memref<1x16x125xi32, #tpu.memory_space<vmem>> -> memref<16x125xi32, #tpu.memory_space<vmem>>
            %dma_wait3A_235 = arith.constant 0 : i32
            %dma_wait3A_236 = tpu.memref_slice %arg5[%add3A_213, %dma_wait3A_235] : memref<1280x125xi32, #tpu.memory_space<hbm>> -> memref<16x125xi32, #tpu.memory_space<hbm>>
            tpu.wait_dma2 semaphore(%arg15 : memref<!tpu.dma_semaphore, #tpu.memory_space<semaphore_mem>>) src(%dma_wait3A_236 : memref<16x125xi32, #tpu.memory_space<hbm>>) dst(%dma_wait3A_234 : memref<16x125xi32, #tpu.memory_space<vmem>>)
          } else {
          }
          %eq3A_219 = arith.constant 1 : i32
          %eq3A_220 = arith.cmpi eq, %select_n3A_118, %eq3A_219 : i32
          %convert_element_type3A_221 = arith.extui %eq3A_220 : i1 to i32
          %cond3A_222 = arith.constant 0 : i32
          %cond3A_223 = arith.cmpi ne, %convert_element_type3A_221, %cond3A_222 : i32
          scf.if %cond3A_223 {
            %dma_wait3A_224 = arith.constant 1 : i32
            %dma_wait3A_225 = arith.constant 0 : i32
            %dma_wait3A_226 = arith.constant 0 : i32
            %dma_wait3A_227 = tpu.memref_slice %arg10[%dma_wait3A_224, %dma_wait3A_225, %dma_wait3A_226] : memref<2x16x125xi32, #tpu.memory_space<vmem>> -> memref<1x16x125xi32, #tpu.memory_space<vmem>>
            %dma_wait3A_228 = tpu.memref_squeeze %dma_wait3A_227 : memref<1x16x125xi32, #tpu.memory_space<vmem>> -> memref<16x125xi32, #tpu.memory_space<vmem>>
            %dma_wait3A_229 = arith.constant 0 : i32
            %dma_wait3A_230 = tpu.memref_slice %arg5[%add3A_213, %dma_wait3A_229] : memref<1280x125xi32, #tpu.memory_space<hbm>> -> memref<16x125xi32, #tpu.memory_space<hbm>>
            %dma_wait3A_231 = arith.constant 0 : i32
            %dma_wait3A_232 = arith.constant 0 : i32
            %dma_wait3A_233 = tpu.memref_slice %arg10[%dma_wait3A_224, %dma_wait3A_231, %dma_wait3A_232] : memref<2x16x125xi32, #tpu.memory_space<vmem>> -> memref<1x16x125xi32, #tpu.memory_space<vmem>>
            %dma_wait3A_234 = tpu.memref_squeeze %dma_wait3A_233 : memref<1x16x125xi32, #tpu.memory_space<vmem>> -> memref<16x125xi32, #tpu.memory_space<vmem>>
            %dma_wait3A_235 = arith.constant 0 : i32
            %dma_wait3A_236 = tpu.memref_slice %arg5[%add3A_213, %dma_wait3A_235] : memref<1280x125xi32, #tpu.memory_space<hbm>> -> memref<16x125xi32, #tpu.memory_space<hbm>>
            tpu.wait_dma2 semaphore(%arg16 : memref<!tpu.dma_semaphore, #tpu.memory_space<semaphore_mem>>) src(%dma_wait3A_236 : memref<16x125xi32, #tpu.memory_space<hbm>>) dst(%dma_wait3A_234 : memref<16x125xi32, #tpu.memory_space<vmem>>)
          } else {
          }
        } else {
        }
        %lt3A_170 = arith.constant 79 : i32
        %lt3A_171 = arith.cmpi slt, %scan3A_54, %lt3A_170 : i32
        %convert_element_type3A_172 = arith.extui %lt3A_171 : i1 to i32
        %cond3A_173 = arith.constant 0 : i32
        %cond3A_174 = arith.cmpi ne, %convert_element_type3A_172, %cond3A_173 : i32
        scf.if %cond3A_174 {
          %add3A_211 = arith.constant 1 : i32
          %add3A_212 = arith.addi %scan3A_54, %add3A_211 : i32
          %eq3A_213 = arith.constant 0 : i32
          %eq3A_214 = arith.cmpi eq, %select_n3A_81, %eq3A_213 : i32
          %convert_element_type3A_215 = arith.extui %eq3A_214 : i1 to i32
          %cond3A_216 = arith.constant 0 : i32
          %cond3A_217 = arith.cmpi ne, %convert_element_type3A_215, %cond3A_216 : i32
          scf.if %cond3A_217 {
            %dma_start3A_223 = arith.constant 0 : i32
            %dma_start3A_224 = arith.constant 0 : i32
            %dma_start3A_225 = arith.constant 0 : i32
            %dma_start3A_226 = tpu.memref_slice %arg11[%dma_start3A_223, %dma_start3A_224, %dma_start3A_225] : memref<2x125x128xf32, #tpu.memory_space<vmem>> -> memref<1x125x128xf32, #tpu.memory_space<vmem>>
            %dma_start3A_227 = tpu.memref_squeeze %dma_start3A_226 : memref<1x125x128xf32, #tpu.memory_space<vmem>> -> memref<125x128xf32, #tpu.memory_space<vmem>>
            %dma_start3A_228 = arith.constant 0 : i32
            %dma_start3A_229 = tpu.memref_slice %arg9[%add3A_212, %dma_start3A_228] : memref<80x125xi32, #tpu.memory_space<vmem>> -> memref<1x125xi32, #tpu.memory_space<vmem>>
            %dma_start3A_230 = tpu.memref_squeeze %dma_start3A_229 : memref<1x125xi32, #tpu.memory_space<vmem>> -> memref<125xi32, #tpu.memory_space<vmem>>
            %dma_start3A_231 = arith.constant 0 : i32
            %dma_start3A_232 = arith.constant 0 : i32
            %dma_start3A_233 = tpu.memref_slice %arg3[%dma_start3A_231, %dma_start3A_232] : memref<10000x128xf32, #tpu.memory_space<hbm>> -> memref<10000x128xf32, #tpu.memory_space<hbm>>
            tpu.enqueue_indirect_dma source(%dma_start3A_233 : memref<10000x128xf32, #tpu.memory_space<hbm>>) target(%dma_start3A_227 : memref<125x128xf32, #tpu.memory_space<vmem>>) offsets(%dma_start3A_230 : memref<125xi32, #tpu.memory_space<vmem>>) semaphore(%arg13 : memref<!tpu.dma_semaphore, #tpu.memory_space<semaphore_mem>>)
          } else {
          }
          %eq3A_218 = arith.constant 1 : i32
          %eq3A_219 = arith.cmpi eq, %select_n3A_81, %eq3A_218 : i32
          %convert_element_type3A_220 = arith.extui %eq3A_219 : i1 to i32
          %cond3A_221 = arith.constant 0 : i32
          %cond3A_222 = arith.cmpi ne, %convert_element_type3A_220, %cond3A_221 : i32
          scf.if %cond3A_222 {
            %dma_start3A_223 = arith.constant 1 : i32
            %dma_start3A_224 = arith.constant 0 : i32
            %dma_start3A_225 = arith.constant 0 : i32
            %dma_start3A_226 = tpu.memref_slice %arg11[%dma_start3A_223, %dma_start3A_224, %dma_start3A_225] : memref<2x125x128xf32, #tpu.memory_space<vmem>> -> memref<1x125x128xf32, #tpu.memory_space<vmem>>
            %dma_start3A_227 = tpu.memref_squeeze %dma_start3A_226 : memref<1x125x128xf32, #tpu.memory_space<vmem>> -> memref<125x128xf32, #tpu.memory_space<vmem>>
            %dma_start3A_228 = arith.constant 0 : i32
            %dma_start3A_229 = tpu.memref_slice %arg9[%add3A_212, %dma_start3A_228] : memref<80x125xi32, #tpu.memory_space<vmem>> -> memref<1x125xi32, #tpu.memory_space<vmem>>
            %dma_start3A_230 = tpu.memref_squeeze %dma_start3A_229 : memref<1x125xi32, #tpu.memory_space<vmem>> -> memref<125xi32, #tpu.memory_space<vmem>>
            %dma_start3A_231 = arith.constant 0 : i32
            %dma_start3A_232 = arith.constant 0 : i32
            %dma_start3A_233 = tpu.memref_slice %arg3[%dma_start3A_231, %dma_start3A_232] : memref<10000x128xf32, #tpu.memory_space<hbm>> -> memref<10000x128xf32, #tpu.memory_space<hbm>>
            tpu.enqueue_indirect_dma source(%dma_start3A_233 : memref<10000x128xf32, #tpu.memory_space<hbm>>) target(%dma_start3A_227 : memref<125x128xf32, #tpu.memory_space<vmem>>) offsets(%dma_start3A_230 : memref<125xi32, #tpu.memory_space<vmem>>) semaphore(%arg14 : memref<!tpu.dma_semaphore, #tpu.memory_space<semaphore_mem>>)
          } else {
          }
        } else {
        }
        %eq3A_175 = arith.constant 0 : i32
        %eq3A_176 = arith.cmpi eq, %select_n3A_63, %eq3A_175 : i32
        %convert_element_type3A_177 = arith.extui %eq3A_176 : i1 to i32
        %cond3A_178 = arith.constant 0 : i32
        %cond3A_179 = arith.cmpi ne, %convert_element_type3A_177, %cond3A_178 : i32
        scf.if %cond3A_179 {
          %dma_wait3A_211 = arith.constant 0 : i32
          %dma_wait3A_212 = arith.constant 0 : i32
          %dma_wait3A_213 = arith.constant 0 : i32
          %dma_wait3A_214 = tpu.memref_slice %arg11[%dma_wait3A_211, %dma_wait3A_212, %dma_wait3A_213] : memref<2x125x128xf32, #tpu.memory_space<vmem>> -> memref<1x125x128xf32, #tpu.memory_space<vmem>>
          %dma_wait3A_215 = tpu.memref_squeeze %dma_wait3A_214 : memref<1x125x128xf32, #tpu.memory_space<vmem>> -> memref<125x128xf32, #tpu.memory_space<vmem>>
          %dma_wait3A_216 = arith.constant 0 : i32
          %dma_wait3A_217 = tpu.memref_slice %arg9[%scan3A_54, %dma_wait3A_216] : memref<80x125xi32, #tpu.memory_space<vmem>> -> memref<1x125xi32, #tpu.memory_space<vmem>>
          %dma_wait3A_218 = tpu.memref_squeeze %dma_wait3A_217 : memref<1x125xi32, #tpu.memory_space<vmem>> -> memref<125xi32, #tpu.memory_space<vmem>>
          %dma_wait3A_219 = arith.constant 0 : i32
          %dma_wait3A_220 = arith.constant 0 : i32
          %dma_wait3A_221 = tpu.memref_slice %arg3[%dma_wait3A_219, %dma_wait3A_220] : memref<10000x128xf32, #tpu.memory_space<hbm>> -> memref<10000x128xf32, #tpu.memory_space<hbm>>
          tpu.wait_indirect_dma semaphore(%arg13 : memref<!tpu.dma_semaphore, #tpu.memory_space<semaphore_mem>>) src(%dma_wait3A_221 : memref<10000x128xf32, #tpu.memory_space<hbm>>) dst(%dma_wait3A_215 : memref<125x128xf32, #tpu.memory_space<vmem>>)
        } else {
        }
        %eq3A_180 = arith.constant 1 : i32
        %eq3A_181 = arith.cmpi eq, %select_n3A_63, %eq3A_180 : i32
        %convert_element_type3A_182 = arith.extui %eq3A_181 : i1 to i32
        %cond3A_183 = arith.constant 0 : i32
        %cond3A_184 = arith.cmpi ne, %convert_element_type3A_182, %cond3A_183 : i32
        scf.if %cond3A_184 {
          %dma_wait3A_211 = arith.constant 1 : i32
          %dma_wait3A_212 = arith.constant 0 : i32
          %dma_wait3A_213 = arith.constant 0 : i32
          %dma_wait3A_214 = tpu.memref_slice %arg11[%dma_wait3A_211, %dma_wait3A_212, %dma_wait3A_213] : memref<2x125x128xf32, #tpu.memory_space<vmem>> -> memref<1x125x128xf32, #tpu.memory_space<vmem>>
          %dma_wait3A_215 = tpu.memref_squeeze %dma_wait3A_214 : memref<1x125x128xf32, #tpu.memory_space<vmem>> -> memref<125x128xf32, #tpu.memory_space<vmem>>
          %dma_wait3A_216 = arith.constant 0 : i32
          %dma_wait3A_217 = tpu.memref_slice %arg9[%scan3A_54, %dma_wait3A_216] : memref<80x125xi32, #tpu.memory_space<vmem>> -> memref<1x125xi32, #tpu.memory_space<vmem>>
          %dma_wait3A_218 = tpu.memref_squeeze %dma_wait3A_217 : memref<1x125xi32, #tpu.memory_space<vmem>> -> memref<125xi32, #tpu.memory_space<vmem>>
          %dma_wait3A_219 = arith.constant 0 : i32
          %dma_wait3A_220 = arith.constant 0 : i32
          %dma_wait3A_221 = tpu.memref_slice %arg3[%dma_wait3A_219, %dma_wait3A_220] : memref<10000x128xf32, #tpu.memory_space<hbm>> -> memref<10000x128xf32, #tpu.memory_space<hbm>>
          tpu.wait_indirect_dma semaphore(%arg14 : memref<!tpu.dma_semaphore, #tpu.memory_space<semaphore_mem>>) src(%dma_wait3A_221 : memref<10000x128xf32, #tpu.memory_space<hbm>>) dst(%dma_wait3A_215 : memref<125x128xf32, #tpu.memory_space<vmem>>)
        } else {
        }
        %jit3A_185 = arith.constant 16 : i32
        %eq3A_186 = arith.constant 0 : i32
        %eq3A_187 = arith.cmpi eq, %jit3A_185, %eq3A_186 : i32
        %jit3A_188 = arith.constant 1 : i32
        %select_n3A_189 = arith.select %eq3A_187, %jit3A_188, %jit3A_185 : i32
        %rem3A_190 = arith.remsi %scan3A_54, %select_n3A_189 : i32
        %ne3A_191 = arith.constant 0 : i32
        %ne3A_192 = arith.cmpi ne, %rem3A_190, %ne3A_191 : i32
        %lt3A_193 = arith.constant 0 : i32
        %lt3A_194 = arith.cmpi slt, %rem3A_190, %lt3A_193 : i32
        %lt3A_195 = arith.constant 0 : i32
        %lt3A_196 = arith.cmpi slt, %select_n3A_189, %lt3A_195 : i32
        %ne3A_197 = arith.xori %lt3A_194, %lt3A_196 : i1
        %and3A_198 = arith.andi %ne3A_197, %ne3A_192 : i1
        %add3A_199 = arith.addi %rem3A_190, %select_n3A_189 : i32
        %select_n3A_200 = arith.select %and3A_198, %add3A_199, %rem3A_190 : i32
        %eq3A_201 = arith.constant 0 : i32
        %eq3A_202 = arith.cmpi eq, %select_n3A_63, %eq3A_201 : i32
        %convert_element_type3A_203 = arith.extui %eq3A_202 : i1 to i32
        %cond3A_204 = arith.constant 0 : i32
        %cond3A_205 = arith.cmpi ne, %convert_element_type3A_203, %cond3A_204 : i32
        scf.if %cond3A_205 {
          %dma_start3A_211 = arith.constant 0 : i32
          %dma_start3A_212 = arith.constant 0 : i32
          %dma_start3A_213 = arith.constant 0 : i32
          %dma_start3A_214 = tpu.memref_slice %arg11[%dma_start3A_211, %dma_start3A_212, %dma_start3A_213] : memref<2x125x128xf32, #tpu.memory_space<vmem>> -> memref<1x125x128xf32, #tpu.memory_space<vmem>>
          %dma_start3A_215 = tpu.memref_squeeze %dma_start3A_214 : memref<1x125x128xf32, #tpu.memory_space<vmem>> -> memref<125x128xf32, #tpu.memory_space<vmem>>
          %dma_start3A_216 = arith.constant 0 : i32
          %dma_start3A_217 = tpu.memref_slice %arg10[%select_n3A_118, %select_n3A_200, %dma_start3A_216] : memref<2x16x125xi32, #tpu.memory_space<vmem>> -> memref<1x1x125xi32, #tpu.memory_space<vmem>>
          %dma_start3A_218 = tpu.memref_squeeze %dma_start3A_217 : memref<1x1x125xi32, #tpu.memory_space<vmem>> -> memref<125xi32, #tpu.memory_space<vmem>>
          %dma_start3A_219 = arith.constant 0 : i32
          %dma_start3A_220 = arith.constant 0 : i32
          %dma_start3A_221 = tpu.memref_slice %arg12[%dma_start3A_219, %dma_start3A_220] : memref<10000x128xf32, #tpu.memory_space<vmem_shared>> -> memref<10000x128xf32, #tpu.memory_space<vmem_shared>>
          tpu.enqueue_indirect_dma source(%dma_start3A_215 : memref<125x128xf32, #tpu.memory_space<vmem>>) target(%dma_start3A_221 : memref<10000x128xf32, #tpu.memory_space<vmem_shared>>) offsets(%dma_start3A_218 : memref<125xi32, #tpu.memory_space<vmem>>) semaphore(%arg17 : memref<!tpu.dma_semaphore, #tpu.memory_space<semaphore_mem>>) {add = true}
        } else {
        }
        %eq3A_206 = arith.constant 1 : i32
        %eq3A_207 = arith.cmpi eq, %select_n3A_63, %eq3A_206 : i32
        %convert_element_type3A_208 = arith.extui %eq3A_207 : i1 to i32
        %cond3A_209 = arith.constant 0 : i32
        %cond3A_210 = arith.cmpi ne, %convert_element_type3A_208, %cond3A_209 : i32
        scf.if %cond3A_210 {
          %dma_start3A_211 = arith.constant 1 : i32
          %dma_start3A_212 = arith.constant 0 : i32
          %dma_start3A_213 = arith.constant 0 : i32
          %dma_start3A_214 = tpu.memref_slice %arg11[%dma_start3A_211, %dma_start3A_212, %dma_start3A_213] : memref<2x125x128xf32, #tpu.memory_space<vmem>> -> memref<1x125x128xf32, #tpu.memory_space<vmem>>
          %dma_start3A_215 = tpu.memref_squeeze %dma_start3A_214 : memref<1x125x128xf32, #tpu.memory_space<vmem>> -> memref<125x128xf32, #tpu.memory_space<vmem>>
          %dma_start3A_216 = arith.constant 0 : i32
          %dma_start3A_217 = tpu.memref_slice %arg10[%select_n3A_118, %select_n3A_200, %dma_start3A_216] : memref<2x16x125xi32, #tpu.memory_space<vmem>> -> memref<1x1x125xi32, #tpu.memory_space<vmem>>
          %dma_start3A_218 = tpu.memref_squeeze %dma_start3A_217 : memref<1x1x125xi32, #tpu.memory_space<vmem>> -> memref<125xi32, #tpu.memory_space<vmem>>
          %dma_start3A_219 = arith.constant 0 : i32
          %dma_start3A_220 = arith.constant 0 : i32
          %dma_start3A_221 = tpu.memref_slice %arg12[%dma_start3A_219, %dma_start3A_220] : memref<10000x128xf32, #tpu.memory_space<vmem_shared>> -> memref<10000x128xf32, #tpu.memory_space<vmem_shared>>
          tpu.enqueue_indirect_dma source(%dma_start3A_215 : memref<125x128xf32, #tpu.memory_space<vmem>>) target(%dma_start3A_221 : memref<10000x128xf32, #tpu.memory_space<vmem_shared>>) offsets(%dma_start3A_218 : memref<125xi32, #tpu.memory_space<vmem>>) semaphore(%arg18 : memref<!tpu.dma_semaphore, #tpu.memory_space<semaphore_mem>>) {add = true}
        } else {
        }
      }
      %scan3A_41 = arith.constant 80 : i32
      %dma_wait3A = arith.constant 1 : i32
      %dma_wait3A_42 = arith.constant 0 : i32
      %dma_wait3A_43 = arith.constant 0 : i32
      %dma_wait3A_44 = arith.constant 0 : i32
      %dma_wait3A_45 = arith.constant 0 : i32
      %dma_wait3A_46 = tpu.memref_slice %arg11[%dma_wait3A, %dma_wait3A_44, %dma_wait3A_45] : memref<2x125x128xf32, #tpu.memory_space<vmem>> -> memref<1x125x128xf32, #tpu.memory_space<vmem>>
      %dma_wait3A_47 = tpu.memref_squeeze %dma_wait3A_46 : memref<1x125x128xf32, #tpu.memory_space<vmem>> -> memref<125x128xf32, #tpu.memory_space<vmem>>
      %dma_wait3A_48 = arith.constant 0 : i32
      %dma_wait3A_49 = tpu.memref_slice %arg10[%dma_wait3A_42, %dma_wait3A_43, %dma_wait3A_48] : memref<2x16x125xi32, #tpu.memory_space<vmem>> -> memref<1x1x125xi32, #tpu.memory_space<vmem>>
      %dma_wait3A_50 = tpu.memref_squeeze %dma_wait3A_49 : memref<1x1x125xi32, #tpu.memory_space<vmem>> -> memref<125xi32, #tpu.memory_space<vmem>>
      %dma_wait3A_51 = arith.constant 0 : i32
      %dma_wait3A_52 = arith.constant 0 : i32
      %dma_wait3A_53 = tpu.memref_slice %arg12[%dma_wait3A_51, %dma_wait3A_52] : memref<10000x128xf32, #tpu.memory_space<vmem_shared>> -> memref<10000x128xf32, #tpu.memory_space<vmem_shared>>
      tpu.wait_indirect_dma semaphore(%arg18 : memref<!tpu.dma_semaphore, #tpu.memory_space<semaphore_mem>>) src(%dma_wait3A_47 : memref<125x128xf32, #tpu.memory_space<vmem>>) dst(%dma_wait3A_53 : memref<10000x128xf32, #tpu.memory_space<vmem_shared>>)
    } else {
    }
    %barrier3A_15 = arith.constant 0 : index
    tpu.barrier barrier_id(%barrier3A_15)
    %eq3A_16 = arith.constant 0 : i32
    %eq3A_17 = arith.cmpi eq, %arg0, %eq3A_16 : i32
    %convert_element_type3A_18 = arith.extui %eq3A_17 : i1 to i32
    %cond3A_19 = arith.constant 0 : i32
    %cond3A_20 = arith.cmpi ne, %convert_element_type3A_18, %cond3A_19 : i32
    scf.if %cond3A_20 {
      %mul3A_26 = arith.constant 624 : i32
      %mul3A_27 = arith.muli %arg1, %mul3A_26 : i32
      %mul3A_28 = arith.constant 624 : i32
      %mul3A_29 = arith.muli %arg1, %mul3A_28 : i32
      "tpu.region"() ({
        %run_scoped3A_35 = tpu.sem_alloc : memref<!tpu.dma_semaphore, #tpu.memory_space<semaphore_mem>>
        %dma_start3A = arith.constant 0 : i32
        %dma_start3A_36 = tpu.memref_slice %arg7[%mul3A_29, %dma_start3A] : memref<10000x128xf32, #tpu.memory_space<hbm>> -> memref<624x128xf32, #tpu.memory_space<hbm>>
        %dma_start3A_37 = arith.constant 0 : i32
        %dma_start3A_38 = tpu.memref_slice %arg12[%mul3A_27, %dma_start3A_37] : memref<10000x128xf32, #tpu.memory_space<vmem_shared>> -> memref<624x128xf32, #tpu.memory_space<vmem_shared>>
        tpu.enqueue_dma source(%dma_start3A_38 : memref<624x128xf32, #tpu.memory_space<vmem_shared>>) target(%dma_start3A_36 : memref<624x128xf32, #tpu.memory_space<hbm>>) target_semaphore(%run_scoped3A_35 : memref<!tpu.dma_semaphore, #tpu.memory_space<semaphore_mem>>)
        %dma_wait3A = arith.constant 0 : i32
        %dma_wait3A_39 = tpu.memref_slice %arg7[%mul3A_29, %dma_wait3A] : memref<10000x128xf32, #tpu.memory_space<hbm>> -> memref<624x128xf32, #tpu.memory_space<hbm>>
        %dma_wait3A_40 = arith.constant 0 : i32
        %dma_wait3A_41 = tpu.memref_slice %arg12[%mul3A_27, %dma_wait3A_40] : memref<10000x128xf32, #tpu.memory_space<vmem_shared>> -> memref<624x128xf32, #tpu.memory_space<vmem_shared>>
        tpu.wait_dma2 semaphore(%run_scoped3A_35 : memref<!tpu.dma_semaphore, #tpu.memory_space<semaphore_mem>>) src(%dma_wait3A_41 : memref<624x128xf32, #tpu.memory_space<vmem_shared>>) dst(%dma_wait3A_39 : memref<624x128xf32, #tpu.memory_space<hbm>>)
        tpu.yield
      }) : () -> ()
      %eq3A_30 = arith.constant 15 : i32
      %eq3A_31 = arith.cmpi eq, %arg1, %eq3A_30 : i32
      %convert_element_type3A_32 = arith.extui %eq3A_31 : i1 to i32
      %cond3A_33 = arith.constant 0 : i32
      %cond3A_34 = arith.cmpi ne, %convert_element_type3A_32, %cond3A_33 : i32
      scf.if %cond3A_34 {
        "tpu.region"() ({
          %run_scoped3A_35 = tpu.sem_alloc : memref<!tpu.dma_semaphore, #tpu.memory_space<semaphore_mem>>
          %dma_start3A = arith.constant 9984 : i32
          %dma_start3A_36 = arith.constant 0 : i32
          %dma_start3A_37 = tpu.memref_slice %arg7[%dma_start3A, %dma_start3A_36] : memref<10000x128xf32, #tpu.memory_space<hbm>> -> memref<16x128xf32, #tpu.memory_space<hbm>>
          %dma_start3A_38 = arith.constant 9984 : i32
          %dma_start3A_39 = arith.constant 0 : i32
          %dma_start3A_40 = tpu.memref_slice %arg12[%dma_start3A_38, %dma_start3A_39] : memref<10000x128xf32, #tpu.memory_space<vmem_shared>> -> memref<16x128xf32, #tpu.memory_space<vmem_shared>>
          tpu.enqueue_dma source(%dma_start3A_40 : memref<16x128xf32, #tpu.memory_space<vmem_shared>>) target(%dma_start3A_37 : memref<16x128xf32, #tpu.memory_space<hbm>>) target_semaphore(%run_scoped3A_35 : memref<!tpu.dma_semaphore, #tpu.memory_space<semaphore_mem>>)
          %dma_wait3A = arith.constant 9984 : i32
          %dma_wait3A_41 = arith.constant 0 : i32
          %dma_wait3A_42 = tpu.memref_slice %arg7[%dma_wait3A, %dma_wait3A_41] : memref<10000x128xf32, #tpu.memory_space<hbm>> -> memref<16x128xf32, #tpu.memory_space<hbm>>
          %dma_wait3A_43 = arith.constant 9984 : i32
          %dma_wait3A_44 = arith.constant 0 : i32
          %dma_wait3A_45 = tpu.memref_slice %arg12[%dma_wait3A_43, %dma_wait3A_44] : memref<10000x128xf32, #tpu.memory_space<vmem_shared>> -> memref<16x128xf32, #tpu.memory_space<vmem_shared>>
          tpu.wait_dma2 semaphore(%run_scoped3A_35 : memref<!tpu.dma_semaphore, #tpu.memory_space<semaphore_mem>>) src(%dma_wait3A_45 : memref<16x128xf32, #tpu.memory_space<vmem_shared>>) dst(%dma_wait3A_42 : memref<16x128xf32, #tpu.memory_space<hbm>>)
          tpu.yield
        }) : () -> ()
      } else {
      }
    } else {
    }
    %eq3A_21 = arith.constant 1 : i32
    %eq3A_22 = arith.cmpi eq, %arg0, %eq3A_21 : i32
    %convert_element_type3A_23 = arith.extui %eq3A_22 : i1 to i32
    %cond3A_24 = arith.constant 0 : i32
    %cond3A_25 = arith.cmpi ne, %convert_element_type3A_23, %cond3A_24 : i32
    scf.if %cond3A_25 {
      %mul3A_26 = arith.constant 624 : i32
      %mul3A_27 = arith.muli %arg1, %mul3A_26 : i32
      %mul3A_28 = arith.constant 624 : i32
      %mul3A_29 = arith.muli %arg1, %mul3A_28 : i32
      "tpu.region"() ({
        %run_scoped3A_35 = tpu.sem_alloc : memref<!tpu.dma_semaphore, #tpu.memory_space<semaphore_mem>>
        %dma_start3A = arith.constant 0 : i32
        %dma_start3A_36 = tpu.memref_slice %arg8[%mul3A_29, %dma_start3A] : memref<10000x128xf32, #tpu.memory_space<hbm>> -> memref<624x128xf32, #tpu.memory_space<hbm>>
        %dma_start3A_37 = arith.constant 0 : i32
        %dma_start3A_38 = tpu.memref_slice %arg12[%mul3A_27, %dma_start3A_37] : memref<10000x128xf32, #tpu.memory_space<vmem_shared>> -> memref<624x128xf32, #tpu.memory_space<vmem_shared>>
        tpu.enqueue_dma source(%dma_start3A_38 : memref<624x128xf32, #tpu.memory_space<vmem_shared>>) target(%dma_start3A_36 : memref<624x128xf32, #tpu.memory_space<hbm>>) target_semaphore(%run_scoped3A_35 : memref<!tpu.dma_semaphore, #tpu.memory_space<semaphore_mem>>)
        %dma_wait3A = arith.constant 0 : i32
        %dma_wait3A_39 = tpu.memref_slice %arg8[%mul3A_29, %dma_wait3A] : memref<10000x128xf32, #tpu.memory_space<hbm>> -> memref<624x128xf32, #tpu.memory_space<hbm>>
        %dma_wait3A_40 = arith.constant 0 : i32
        %dma_wait3A_41 = tpu.memref_slice %arg12[%mul3A_27, %dma_wait3A_40] : memref<10000x128xf32, #tpu.memory_space<vmem_shared>> -> memref<624x128xf32, #tpu.memory_space<vmem_shared>>
        tpu.wait_dma2 semaphore(%run_scoped3A_35 : memref<!tpu.dma_semaphore, #tpu.memory_space<semaphore_mem>>) src(%dma_wait3A_41 : memref<624x128xf32, #tpu.memory_space<vmem_shared>>) dst(%dma_wait3A_39 : memref<624x128xf32, #tpu.memory_space<hbm>>)
        tpu.yield
      }) : () -> ()
      %eq3A_30 = arith.constant 15 : i32
      %eq3A_31 = arith.cmpi eq, %arg1, %eq3A_30 : i32
      %convert_element_type3A_32 = arith.extui %eq3A_31 : i1 to i32
      %cond3A_33 = arith.constant 0 : i32
      %cond3A_34 = arith.cmpi ne, %convert_element_type3A_32, %cond3A_33 : i32
      scf.if %cond3A_34 {
        "tpu.region"() ({
          %run_scoped3A_35 = tpu.sem_alloc : memref<!tpu.dma_semaphore, #tpu.memory_space<semaphore_mem>>
          %dma_start3A = arith.constant 9984 : i32
          %dma_start3A_36 = arith.constant 0 : i32
          %dma_start3A_37 = tpu.memref_slice %arg8[%dma_start3A, %dma_start3A_36] : memref<10000x128xf32, #tpu.memory_space<hbm>> -> memref<16x128xf32, #tpu.memory_space<hbm>>
          %dma_start3A_38 = arith.constant 9984 : i32
          %dma_start3A_39 = arith.constant 0 : i32
          %dma_start3A_40 = tpu.memref_slice %arg12[%dma_start3A_38, %dma_start3A_39] : memref<10000x128xf32, #tpu.memory_space<vmem_shared>> -> memref<16x128xf32, #tpu.memory_space<vmem_shared>>
          tpu.enqueue_dma source(%dma_start3A_40 : memref<16x128xf32, #tpu.memory_space<vmem_shared>>) target(%dma_start3A_37 : memref<16x128xf32, #tpu.memory_space<hbm>>) target_semaphore(%run_scoped3A_35 : memref<!tpu.dma_semaphore, #tpu.memory_space<semaphore_mem>>)
          %dma_wait3A = arith.constant 9984 : i32
          %dma_wait3A_41 = arith.constant 0 : i32
          %dma_wait3A_42 = tpu.memref_slice %arg8[%dma_wait3A, %dma_wait3A_41] : memref<10000x128xf32, #tpu.memory_space<hbm>> -> memref<16x128xf32, #tpu.memory_space<hbm>>
          %dma_wait3A_43 = arith.constant 9984 : i32
          %dma_wait3A_44 = arith.constant 0 : i32
          %dma_wait3A_45 = tpu.memref_slice %arg12[%dma_wait3A_43, %dma_wait3A_44] : memref<10000x128xf32, #tpu.memory_space<vmem_shared>> -> memref<16x128xf32, #tpu.memory_space<vmem_shared>>
          tpu.wait_dma2 semaphore(%run_scoped3A_35 : memref<!tpu.dma_semaphore, #tpu.memory_space<semaphore_mem>>) src(%dma_wait3A_45 : memref<16x128xf32, #tpu.memory_space<vmem_shared>>) dst(%dma_wait3A_42 : memref<16x128xf32, #tpu.memory_space<hbm>>)
          tpu.yield
        }) : () -> ()
      } else {
      }
    } else {
    }
    return
  }
}

module attributes {stable_mosaic.version = 14 : i64} {
  func.func @_read_body(%arg0: i32, %arg1: memref<2000x128xf32, #tpu.memory_space<vmem>>, %arg2: memref<2000x128xf32, #tpu.memory_space<vmem>>, %arg3: memref<1x256xf32, #tpu.memory_space<vmem>>, %arg4: memref<256x256xf32, #tpu.memory_space<vmem>>, %arg5: memref<1x256xf32, #tpu.memory_space<vmem>>, %arg6: memref<2000x256xf32, #tpu.memory_space<vmem>>, %arg7: memref<2000x256xf32, #tpu.memory_space<vmem>>) attributes {dimension_semantics = [#tpu.dimension_semantics<arbitrary>], iteration_bounds = array<i64: 5>, scalar_prefetch = 0 : i64, scratch_operands = 0 : i64, tpu.core_type = #tpu.core_type<tc>, window_params = [{transform_indices = @transform_0, window_bounds = array<i64: 2000, 128>}, {transform_indices = @transform_1, window_bounds = array<i64: 2000, 128>}, {pipeline_mode = #tpu.pipeline_mode<synchronous>, transform_indices = @transform_2, window_bounds = array<i64: 1, 256>}, {pipeline_mode = #tpu.pipeline_mode<synchronous>, transform_indices = @transform_3, window_bounds = array<i64: 256, 256>}, {pipeline_mode = #tpu.pipeline_mode<synchronous>, transform_indices = @transform_4, window_bounds = array<i64: 1, 256>}, {transform_indices = @transform_5, window_bounds = array<i64: 2000, 256>}, {transform_indices = @transform_6, window_bounds = array<i64: 2000, 256>}]} {
    %get3A = arith.constant 0 : index
    %get3A_0 = arith.constant 0 : index
    %get3A_1 = vector.load %arg1[%get3A, %get3A_0] : memref<2000x128xf32, #tpu.memory_space<vmem>>, vector<2000x128xf32>
    %get3A_2 = arith.constant 0 : index
    %get3A_3 = arith.constant 0 : index
    %get3A_4 = vector.load %arg2[%get3A_2, %get3A_3] : memref<2000x128xf32, #tpu.memory_space<vmem>>, vector<2000x128xf32>
    %concatenate3A = tpu.concatenate %get3A_1, %get3A_4 in 1 : vector<2000x128xf32>, vector<2000x128xf32> -> vector<2000x256xf32>
    %get3A_5 = arith.constant 0 : index
    %get3A_6 = arith.constant 0 : index
    %get3A_7 = vector.load %arg3[%get3A_5, %get3A_6] : memref<1x256xf32, #tpu.memory_space<vmem>>, vector<1x256xf32>
    %add3A = vector.broadcast %get3A_7 : vector<1x256xf32> to vector<2000x256xf32>
    %add3A_8 = arith.addf %concatenate3A, %add3A : vector<2000x256xf32>
    %swap3A = arith.constant 0 : index
    %swap3A_9 = arith.constant 0 : index
    %swap3A_10 = vector.load %arg7[%swap3A, %swap3A_9] : memref<2000x256xf32, #tpu.memory_space<vmem>>, vector<2000x256xf32>
    tpu.vector_store %arg7[%swap3A, %swap3A_9], %add3A_8 {strides = array<i32>} : memref<2000x256xf32, #tpu.memory_space<vmem>>, vector<2000x256xf32>,
    %tanh3A = math.tanh %add3A_8 : vector<2000x256xf32>
    %get3A_11 = arith.constant 0 : index
    %get3A_12 = arith.constant 0 : index
    %get3A_13 = vector.load %arg4[%get3A_11, %get3A_12] : memref<256x256xf32, #tpu.memory_space<vmem>>, vector<256x256xf32>
    %dot_general3A = arith.constant dense<0.000000e+00> : vector<2000x256xf32>
    %dot_general3A_14 = tpu.matmul %tanh3A, %get3A_13, %dot_general3A {dimension_numbers = #tpu.dot_dimension_numbers<[1], [0], [0], [1], [0, 0, 1, 1], [], []>, transpose_lhs_hint = false} : vector<2000x256xf32>, vector<256x256xf32>, vector<2000x256xf32> -> vector<2000x256xf32>
    %get3A_15 = arith.constant 0 : index
    %get3A_16 = arith.constant 0 : index
    %get3A_17 = vector.load %arg5[%get3A_15, %get3A_16] : memref<1x256xf32, #tpu.memory_space<vmem>>, vector<1x256xf32>
    %add3A_18 = vector.broadcast %get3A_17 : vector<1x256xf32> to vector<2000x256xf32>
    %add3A_19 = arith.addf %dot_general3A_14, %add3A_18 : vector<2000x256xf32>
    %swap3A_20 = arith.constant 0 : index
    %swap3A_21 = arith.constant 0 : index
    %swap3A_22 = vector.load %arg6[%swap3A_20, %swap3A_21] : memref<2000x256xf32, #tpu.memory_space<vmem>>, vector<2000x256xf32>
    tpu.vector_store %arg6[%swap3A_20, %swap3A_21], %add3A_19 {strides = array<i32>} : memref<2000x256xf32, #tpu.memory_space<vmem>>, vector<2000x256xf32>,
    return
  }
  func.func @transform_0(%arg0: i32) -> (i32, i32) {
    %c0_i32 = arith.constant 0 : i32
    %c0_i32_0 = arith.constant 0 : i32
    return %arg0, %c0_i32 : i32, i32
  }
  func.func @transform_1(%arg0: i32) -> (i32, i32) {
    %c0_i32 = arith.constant 0 : i32
    %c0_i32_0 = arith.constant 0 : i32
    return %arg0, %c0_i32 : i32, i32
  }
  func.func @transform_2(%arg0: i32) -> (i32, i32) {
    %c0_i32 = arith.constant 0 : i32
    %c0_i32_0 = arith.constant 0 : i32
    %c0_i32_1 = arith.constant 0 : i32
    return %c0_i32, %c0_i32_0 : i32, i32
  }
  func.func @transform_3(%arg0: i32) -> (i32, i32) {
    %c0_i32 = arith.constant 0 : i32
    %c0_i32_0 = arith.constant 0 : i32
    %c0_i32_1 = arith.constant 0 : i32
    return %c0_i32, %c0_i32_0 : i32, i32
  }
  func.func @transform_4(%arg0: i32) -> (i32, i32) {
    %c0_i32 = arith.constant 0 : i32
    %c0_i32_0 = arith.constant 0 : i32
    %c0_i32_1 = arith.constant 0 : i32
    return %c0_i32, %c0_i32_0 : i32, i32
  }
  func.func @transform_5(%arg0: i32) -> (i32, i32) {
    %c0_i32 = arith.constant 0 : i32
    %c0_i32_0 = arith.constant 0 : i32
    return %arg0, %c0_i32 : i32, i32
  }
  func.func @transform_6(%arg0: i32) -> (i32, i32) {
    %c0_i32 = arith.constant 0 : i32
    %c0_i32_0 = arith.constant 0 : i32
    return %arg0, %c0_i32 : i32, i32
  }
}

module attributes {stable_mosaic.version = 14 : i64} {
  func.func @_emb_body(%arg0: i32, %arg1: memref<2000x256xf32, #tpu.memory_space<vmem>>, %arg2: memref<256x256xf32, #tpu.memory_space<vmem>>, %arg3: memref<1x256xf32, #tpu.memory_space<vmem>>, %arg4: memref<256x256xf32, #tpu.memory_space<vmem>>, %arg5: memref<2000x128xf32, #tpu.memory_space<vmem>>, %arg6: memref<2000x128xf32, #tpu.memory_space<vmem>>) attributes {dimension_semantics = [#tpu.dimension_semantics<arbitrary>], iteration_bounds = array<i64: 5>, scalar_prefetch = 0 : i64, scratch_operands = 0 : i64, tpu.core_type = #tpu.core_type<tc>, window_params = [{transform_indices = @transform_0, window_bounds = array<i64: 2000, 256>}, {pipeline_mode = #tpu.pipeline_mode<synchronous>, transform_indices = @transform_1, window_bounds = array<i64: 256, 256>}, {pipeline_mode = #tpu.pipeline_mode<synchronous>, transform_indices = @transform_2, window_bounds = array<i64: 1, 256>}, {pipeline_mode = #tpu.pipeline_mode<synchronous>, transform_indices = @transform_3, window_bounds = array<i64: 256, 256>}, {transform_indices = @transform_4, window_bounds = array<i64: 2000, 128>}, {transform_indices = @transform_5, window_bounds = array<i64: 2000, 128>}]} {
    %get3A = arith.constant 0 : index
    %get3A_0 = arith.constant 0 : index
    %get3A_1 = vector.load %arg2[%get3A, %get3A_0] : memref<256x256xf32, #tpu.memory_space<vmem>>, vector<256x256xf32>
    %get3A_2 = arith.constant 0 : index
    %get3A_3 = arith.constant 0 : index
    %get3A_4 = vector.load %arg4[%get3A_2, %get3A_3] : memref<256x256xf32, #tpu.memory_space<vmem>>, vector<256x256xf32>
    %dot_general3A = arith.constant dense<0.000000e+00> : vector<256x256xf32>
    %dot_general3A_5 = tpu.matmul %get3A_1, %get3A_4, %dot_general3A {dimension_numbers = #tpu.dot_dimension_numbers<[1], [0], [0], [1], [0, 0, 1, 1], [], []>, transpose_lhs_hint = false} : vector<256x256xf32>, vector<256x256xf32>, vector<256x256xf32> -> vector<256x256xf32>
    %get3A_6 = arith.constant 0 : index
    %get3A_7 = arith.constant 0 : index
    %get3A_8 = vector.load %arg3[%get3A_6, %get3A_7] : memref<1x256xf32, #tpu.memory_space<vmem>>, vector<1x256xf32>
    %get3A_9 = arith.constant 0 : index
    %get3A_10 = arith.constant 0 : index
    %get3A_11 = vector.load %arg4[%get3A_9, %get3A_10] : memref<256x256xf32, #tpu.memory_space<vmem>>, vector<256x256xf32>
    %dot_general3A_12 = arith.constant dense<0.000000e+00> : vector<1x256xf32>
    %dot_general3A_13 = tpu.matmul %get3A_8, %get3A_11, %dot_general3A_12 {dimension_numbers = #tpu.dot_dimension_numbers<[1], [0], [0], [1], [0, 0, 1, 1], [], []>, transpose_lhs_hint = false} : vector<1x256xf32>, vector<256x256xf32>, vector<1x256xf32> -> vector<1x256xf32>
    %get3A_14 = arith.constant 0 : index
    %get3A_15 = arith.constant 0 : index
    %get3A_16 = vector.load %arg1[%get3A_14, %get3A_15] : memref<2000x256xf32, #tpu.memory_space<vmem>>, vector<2000x256xf32>
    %dot_general3A_17 = arith.constant dense<0.000000e+00> : vector<2000x256xf32>
    %dot_general3A_18 = tpu.matmul %get3A_16, %dot_general3A_5, %dot_general3A_17 {dimension_numbers = #tpu.dot_dimension_numbers<[1], [0], [0], [1], [0, 0, 1, 1], [], []>, transpose_lhs_hint = false} : vector<2000x256xf32>, vector<256x256xf32>, vector<2000x256xf32> -> vector<2000x256xf32>
    %add3A = vector.broadcast %dot_general3A_13 : vector<1x256xf32> to vector<2000x256xf32>
    %add3A_19 = arith.addf %dot_general3A_18, %add3A : vector<2000x256xf32>
    %slice3A = vector.extract_strided_slice %add3A_19 {offsets = [0, 0], sizes = [2000, 128], strides = [1, 1]} : vector<2000x256xf32> to vector<2000x128xf32>
    %swap3A = arith.constant 0 : index
    %swap3A_20 = arith.constant 0 : index
    %swap3A_21 = vector.load %arg5[%swap3A, %swap3A_20] : memref<2000x128xf32, #tpu.memory_space<vmem>>, vector<2000x128xf32>
    tpu.vector_store %arg5[%swap3A, %swap3A_20], %slice3A {strides = array<i32>} : memref<2000x128xf32, #tpu.memory_space<vmem>>, vector<2000x128xf32>,
    %slice3A_22 = vector.extract_strided_slice %add3A_19 {offsets = [0, 128], sizes = [2000, 128], strides = [1, 1]} : vector<2000x256xf32> to vector<2000x128xf32>
    %swap3A_23 = arith.constant 0 : index
    %swap3A_24 = arith.constant 0 : index
    %swap3A_25 = vector.load %arg6[%swap3A_23, %swap3A_24] : memref<2000x128xf32, #tpu.memory_space<vmem>>, vector<2000x128xf32>
    tpu.vector_store %arg6[%swap3A_23, %swap3A_24], %slice3A_22 {strides = array<i32>} : memref<2000x128xf32, #tpu.memory_space<vmem>>, vector<2000x128xf32>,
    return
  }
  func.func @transform_0(%arg0: i32) -> (i32, i32) {
    %c0_i32 = arith.constant 0 : i32
    %c0_i32_0 = arith.constant 0 : i32
    return %arg0, %c0_i32 : i32, i32
  }
  func.func @transform_1(%arg0: i32) -> (i32, i32) {
    %c0_i32 = arith.constant 0 : i32
    %c0_i32_0 = arith.constant 0 : i32
    %c0_i32_1 = arith.constant 0 : i32
    return %c0_i32, %c0_i32_0 : i32, i32
  }
  func.func @transform_2(%arg0: i32) -> (i32, i32) {
    %c0_i32 = arith.constant 0 : i32
    %c0_i32_0 = arith.constant 0 : i32
    %c0_i32_1 = arith.constant 0 : i32
    return %c0_i32, %c0_i32_0 : i32, i32
  }
  func.func @transform_3(%arg0: i32) -> (i32, i32) {
    %c0_i32 = arith.constant 0 : i32
    %c0_i32_0 = arith.constant 0 : i32
    %c0_i32_1 = arith.constant 0 : i32
    return %c0_i32, %c0_i32_0 : i32, i32
  }
  func.func @transform_4(%arg0: i32) -> (i32, i32) {
    %c0_i32 = arith.constant 0 : i32
    %c0_i32_0 = arith.constant 0 : i32
    return %arg0, %c0_i32 : i32, i32
  }
  func.func @transform_5(%arg0: i32) -> (i32, i32) {
    %c0_i32 = arith.constant 0 : i32
    %c0_i32_0 = arith.constant 0 : i32
    return %arg0, %c0_i32 : i32, i32
  }
}

</mosaic_0001>

<sc_bundles>
// kernel: kernel.5.cloned.1.call-start
scs
__scs_entry_jumppad:
0x0: {  	(pc) =	sbr.rel $0x88, $3  }
0x1: {  	(tag) =	ssettag $0x0;
	lr =	simm.s32 $0x1  }
0x2: {  	[smem:$0x3F99] =	sst lr;
	_ =	strace $0xD0000000  }
0x3: {  	_ = 	snop  }
0x4: {  	_ = 	snop  }
0x5: {  	_ = 	snop  }
0x6: {  	_ = 	snop  }
0x7: {  	_ = 	snop  }
__scs_overlays_trampoline_lowered:
0x8: {  	[smem:$0x3FA8] =	sst s0  }
0x9: {  	[smem:$0x3FA9] =	sst s1  }
0xa: {  	[smem:$0x3FAA] =	sst s2  }
0xb: {  	[smem:$0x3FAB] =	sst s3  }
0xc: {  	[smem:$0x3FAC] =	sst s4  }
0xd: {  	[smem:$0x3FAD] =	sst s5  }
0xe: {  	[smem:$0x3FAE] =	sst s6  }
0xf: {  	[smem:$0x3FAF] =	sst s7  }
0x10: {  	[smem:$0x3FB0] =	sst s8  }
0x11: {  	[smem:$0x3FB1] =	sst s9;
	s0 =	simm.s32 @!p0 $0x0  }
0x12: {  	s1 =	sld [smem:$0x3F97];
	s0 =	simm.s32 @p0 $0x1  }
0x13: {  	[smem:$0x3FB2] =	sst s0;
	s0 =	simm.s32 @!p1 $0x0  }
0x14: {  	s2 =	sld [smem:$0x3F96];
	s0 =	simm.s32 @p1 $0x1  }
0x15: {  	[smem:$0x3FB3] =	sst s0;
	s0 =	simm.s32 @!p2 $0x0  }
0x16: {  	s3 =	sld [smem:$0x3FDB];
	s0 =	simm.s32 @p2 $0x1  }
0x17: {  	s4 =	simm.s32 $0x1BF5;
	[smem:$0x3FB5] =	sst s0  }
0x18: {  	s0 =	sld [smem:$0x3F98];
	_ =	swait.ge [sflag:s4], $0x0  }
0x19: {  	s7 =	sld [smem:$0x3F99]  }
0x1a: {  	s8 =	sadd.s32 $0xFFFFE003, lr  }
0x1b: {  	s9 =	sadd.s32 $0xFFFFFEF7, lr;
	s5 =	simm.s32 $0xFFFFFFFF;
	p2 =	slt.u32 s8, $0xFFFFF086  }
0x1c: {  	p1 =	slt.u32 s9, $0xF7A;
	s5 =	simm.s32 @!p2 $0x0  }
0x1d: {  	s5 =	simm.s32 @p1 $0x1;
	p0 =	seq.s32 s7, s2  }
0x1e: {  	s7 =	smul.u32 @!p0 $0xF7A, s2;
	p2 =	seq.s32 @!p0 s5, $0x0  }
0x1f: {  	s9 =	smul.u32 $0xF7A, s1;
	s8 =	simm.s32 @!p0 $0x1BF5;
	p2 =	por !p2, p0  }
0x20: {  	[sflag:s8] =	ssyncset.s32 @!p0 $0xFFFFF086;
	s6 =	sadd.s32 @!p0 s3, s7;
	s7 =	simm.s32 @!p0 $0x108  }
0x21: {  	s3 =	sadd.s32 s3, s9;
	s6 =	sadd.s32 @!p0 $0x88, s6;
	s7 =	simm.s32 @p2 $0x1082  }
0x22: {  	[simem:s7], [sflag:s8] =	dma.local @!p0 [hbm:s6], $0xF7A  }
0x23: {  	s9 =	sor.u32 $0xD0000000, s2;
	s6 =	simm.s32 $0x108;
	_ =	swait.ge @!p0 [sflag:s8], $0x0  }
0x24: {  	s3 =	sadd.s32 $0x88, s3;
	s6 =	simm.s32 @!p1 $0x1082;
	[sflag:s4] =	ssyncset.s32 $0xFFFFF086  }
0x25: {  	[simem:s6], [sflag:s4] =	dma.local [hbm:s3], $0xF7A  }
0x26: {  	[smem:$0x3F99] =	sst s1;
	(tag) =	ssettag s2;
	_ =	strace s9  }
0x27: {  	s1 =	sld [smem:$0x3FA9]  }
0x28: {  	s2 =	sld [smem:$0x3FAA]  }
0x29: {  	s4 =	sld [smem:$0x3FAC]  }
0x2a: {  	p0 =	seq.s32 s5, $0x0;
	s5 =	sld [smem:$0x3FAD]  }
0x2b: {  	s6 =	sld [smem:$0x3FAE]  }
0x2c: {  	s7 =	sld [smem:$0x3FAF]  }
0x2d: {  	s3 =	simm.s32 $0x108;
	s8 =	sld [smem:$0x3FB0]  }
0x2e: {  	s3 =	simm.s32 @!p0 $0x1082;
	s9 =	sld [smem:$0x3FB1]  }
0x2f: {  	lr =	sadd.s32 s0, s3;
	s0 =	sld [smem:$0x3FA8]  }
0x30: {  	s3 =	sld [smem:$0x3FAB]  }
0x31: {  	[smem:$0x3FB4] =	sst s10  }
0x32: {  	s10 =	sld [smem:$0x3FB2];
	_ =	sdelay $0x3  }
0x33: {  	p0 =	seq.s32 s10, $0x1;
	s10 =	sld [smem:$0x3FB4];
	_ =	sdelay $0x3  }
0x34: {  	[smem:$0x3FB4] =	sst s10  }
0x35: {  	s10 =	sld [smem:$0x3FB3];
	_ =	sdelay $0x3  }
0x36: {  	p1 =	seq.s32 s10, $0x1;
	s10 =	sld [smem:$0x3FB4];
	_ =	sdelay $0x3  }
0x37: {  	[smem:$0x3FB4] =	sst s10  }
0x38: {  	s10 =	sld [smem:$0x3FB5]  }
0x39: {  	_ = 	snop;
	(pc) =	sbr.ind lr, $3  }
0x3a: {  	_ = 	snop  }
0x3b: {  	_ = 	snop  }
0x3c: {  	p2 =	seq.s32 s10, $0x1;
	s10 =	sld [smem:$0x3FB4]  }
0x3d: {  	_ =	shalt  }
0x3e: {  	_ =	shalt  }
0x3f: {  	_ =	shalt  }
0x40: {  	_ =	shalt  }
0x41: {  	_ =	shalt  }
0x42: {  	_ =	shalt  }
0x43: {  	_ =	shalt  }
0x44: {  	_ =	shalt  }
0x45: {  	_ =	shalt  }
0x46: {  	_ =	shalt  }
0x47: {  	_ =	shalt  }
0x48: {  	_ =	shalt  }
0x49: {  	_ =	shalt  }
0x4a: {  	_ =	shalt  }
0x4b: {  	_ =	shalt  }
0x4c: {  	_ =	shalt  }
0x4d: {  	_ =	shalt  }
0x4e: {  	_ =	shalt  }
0x4f: {  	_ =	shalt  }
0x50: {  	_ =	shalt  }
0x51: {  	_ =	shalt  }
0x52: {  	_ =	shalt  }
0x53: {  	_ =	shalt  }
0x54: {  	_ =	shalt  }
0x55: {  	_ =	shalt  }
0x56: {  	_ =	shalt  }
0x57: {  	_ =	shalt  }
0x58: {  	_ =	shalt  }
0x59: {  	_ =	shalt  }
0x5a: {  	_ =	shalt  }
0x5b: {  	_ =	shalt  }
0x5c: {  	_ =	shalt  }
0x5d: {  	_ =	shalt  }
0x5e: {  	_ =	shalt  }
0x5f: {  	_ =	shalt  }
0x60: {  	_ =	shalt  }
0x61: {  	_ =	shalt  }
0x62: {  	_ =	shalt  }
0x63: {  	_ =	shalt  }
0x64: {  	_ =	shalt  }
0x65: {  	_ =	shalt  }
0x66: {  	_ =	shalt  }
0x67: {  	_ =	shalt  }
0x68: {  	_ =	shalt  }
0x69: {  	_ =	shalt  }
0x6a: {  	_ =	shalt  }
0x6b: {  	_ =	shalt  }
0x6c: {  	_ =	shalt  }
0x6d: {  	_ =	shalt  }
0x6e: {  	_ =	shalt  }
0x6f: {  	_ =	shalt  }
0x70: {  	_ =	shalt  }
0x71: {  	_ =	shalt  }
0x72: {  	_ =	shalt  }
0x73: {  	_ =	shalt  }
0x74: {  	_ =	shalt  }
0x75: {  	_ =	shalt  }
0x76: {  	_ =	shalt  }
0x77: {  	_ =	shalt  }
0x78: {  	_ =	shalt  }
0x79: {  	_ =	shalt  }
0x7a: {  	_ =	shalt  }
0x7b: {  	_ =	shalt  }
0x7c: {  	_ =	shalt  }
0x7d: {  	_ =	shalt  }
0x7e: {  	_ =	shalt  }
0x7f: {  	_ =	shalt  }
0x80: {  	_ =	shalt  }
0x81: {  	_ =	shalt  }
0x82: {  	_ =	shalt  }
0x83: {  	_ =	shalt  }
0x84: {  	_ =	shalt  }
0x85: {  	_ =	shalt  }
0x86: {  	_ =	shalt  }
0x87: {  	_ =	shalt  }
.Lfunc_end0:
.L_simem_size_0:
called_computation_lowered:
.L_overlay_start_0:
0x88: {  	s2 =	sld [smem:$0x3FD9]  }
0x89: {  	s3 =	sld [smem:$0x3FFE];
	_ =	sdelay $0x1  }
0x8a: {  	s1 =	srdreg.scid  }
0x8b: {  	s0 =	sand.u32 $0x1, s1  }
0x8c: {  	s14 =	sshll.u32 s0, $0xA;
	s2 =	sadd.s32 s3, s2  }
0x8d: {  	s2 =	sadd.s32 s2, s14  }
0x8e: {  	[smem:$0x3FC0] =	sst s2  }
0x8f: {  	_ = 	snop  }
0x90: {  	s2 =	sld [smem:$0x3FD0];
	_ =	sdelay $0x2  }
0x91: {  	s15 =	simm.s32 $0xA;
	s4 =	simm.s32 $0x10  }
0x92: {  	[smem:s4], [sflag:s15] =	dma.local [hbm:s2], $0x1  }
0x93: {  	_ =	swait.eq [sflag:s15], $0x1  }
0x94: {  	[sflag:s15] =	ssyncset.done $0x0  }
0x95: {  	s16 =	sld [smem:$0x10];
	[sflag:s15] =	ssyncadd.s32 $0xFFFFFFFF  }
0x96: {  	s17 =	sld [smem:$0x11];
	(tm) =	ssettm $0x1  }
0x97: {  	s18 =	sld [smem:$0x3FFB];
	_ =	sdelay $0x3  }
0x98: {  	_ =	strace s18  }
0x99: {  	s4 =	sld [smem:$0x3FFC];
	_ =	sdelay $0x3  }
0x9a: {  	_ =	strace s4  }
0x9b: {  	s4 =	sld [smem:$0x3FFD];
	_ =	sdelay $0x3  }
0x9c: {  	_ =	strace s4  }
0x9d: {  	_ =	strace $0x8FFFFFFF  }
0x9e: {  	s19 =	sld [smem:$0x3FDB];
	_ =	sdelay $0x1  }
0x9f: {  	s5 =	simm.s32 $_scs_section_size  }
0xa0: {  	s6 =	simm.s32 $_size__tile_overlayer_lowered;
	s7 =	simm.s32 $_tile_overlayer_lowered  }
0xa1: {  	s22 =	simm.s32 $0x1BFF;
	s21 =	sshll.u32 s7, $0x1;
	s4 =	sadd.s32 s5, s19  }
0xa2: {  	s8 =	simm.s32 $0x0;
	s20 =	sshll.u32 s6, $0x1;
	s6 =	sadd.s32 s21, s4  }
0xa3: {  	[timem:s8], [sflag:s22] =	dma.local [hbm:s6], s20  }
0xa4: {  	_ =	swait.ge [sflag:s22], s20  }
0xa5: {  	s5 =	ssub.s32 $0x0, s20;
	[sflag:s22] =	ssyncset.done $0x0  }
0xa6: {  	[sflag:s22] =	ssyncadd.s32 s5;
	_ =	sdelay $0x1  }
0xa7: {  	s23 =	simm.s32 $0x1B8B  }
0xa8: {  	_ =	swait.ge [sflag:s23], $0x1  }
0xa9: {  	[sflag:s23] =	ssyncset.done $0x0  }
0xaa: {  	s25 =	simm.s32 $0x1B8E;
	s24 =	sld [smem:$0x3FFE];
	[sflag:s23] =	ssyncadd.s32 $0xFFFFFFFF  }
0xab: {  	s26 =	simm.s32 $execute0_lowered;
	[smem:$0x3FD2] =	sst s25  }
0xac: {  	s6 =	sshll.u32 s26, $0x1;
	_ =	strace $0x80000046;
	[dreg:$0x1] =	wrdreg $0xFFFFFFFF  }
0xad: {  	s28 =	simm.s32 $_size_execute0_lowered;
	s4 =	sadd.s32 s4, s6;
	[dreg:$0x0] =	wrdreg $0x0  }
0xae: {  	s6 =	sshll.u32 s28, $0x1;
	[dreg:$0x2] =	wrdreg s4  }
0xaf: {  	[dreg:$0x3] =	wrdreg s6  }
0xb0: {  	[dreg:$0x4] =	wrdreg $0xC0  }
0xb1: {  	_ =	task [dreg:s8], $0x5FFFF  }
0xb2: {  	[dreg:$0x1] =	wrdreg $0xFFFFFFFF  }
0xb3: {  	[dreg:$0x0] =	wrdreg $0x60  }
0xb4: {  	[dreg:$0x2] =	wrdreg s17  }
0xb5: {  	[dreg:$0x3] =	wrdreg s16  }
0xb6: {  	[dreg:$0x4] =	wrdreg s24  }
0xb7: {  	[dreg:$0x5] =	wrdreg $0xB8000  }
0xb8: {  	[dreg:$0x6] =	wrdreg $0x9  }
0xb9: {  	_ =	task.clear_ibuf [dreg:s8], $0x7FFFF;
	_ =	strace $0x90000046  }
0xba: {  	s29 =	simm.s32 $0x9;
	_ =	strace $0x80000048  }
0xbb: {  	_ =	swait.ge [sflag:s29], $0x1  }
0xbc: {  	[sflag:s29] =	ssyncadd.s32 $0xFFFFFFFF  }
0xbd: {  	_ =	strace $0x90000048  }
0xbe: {  	_ =	sfence  }
0xbf: {  	s30 =	sld [smem:$0x0];
	_ =	sdelay $0x2  }
0xc0: {  	s31 =	sshll.u32 s1, $0xD;
	s1 =	sshrl.u32 s1, $0x2  }
0xc1: {  	s3 =	sand.u32 $0x4000, s31;
	s1 =	sadd.s32 s1, s30  }
0xc2: {  	s0 =	sor.u32 s3, s0;
	s1 =	sshll.u32 s1, $0x11  }
0xc3: {  	s0 =	sor.u32 s1, s0  }
0xc4: {  	s0 =	sadd.s32 $0x8F2B, s0  }
0xc5: {  	[sflag:s0] =	ssyncadd.remote.s32 $0x1  }
0xc6: {  	_ =	sfence.sel $0xFFFF  }
0xc7: {  	[dreg:$0x0] =	wrdreg $0xFFFFFFFF;
	(pc) =	sbr.abs _section_cstart, $3  }
0xc8: {  	[dreg:$0x1] =	wrdreg $0xFFFFFFFF  }
0xc9: {  	_ =	task.clear_ibuf [dreg:s8], $0x2FFFF;
	_ =	strace $0x9FFFFFFF  }
0xca: {  	(tm) =	ssettm $0x7FFFFFFF  }
0xcb: {  	_ =	shalt  }
tec
execute0_lowered:
.L_overlay_start_1:
0x0: {  	(tag) =	ssettag $0x1  }
0x1: {  	s1 =	rddreg [dreg:$0x0]  }
0x2: {  	s2 =	rddreg [dreg:$0x1]  }
0x3: {  	s0 =	rddreg [dreg:$0x2]  }
0x4: {  	s4 =	rddreg [dreg:$0x3]  }
0x5: {  	s5 =	simm.s32 $0x0;
	s12 =	stileid.u32;
	s7 =	srdreg.scid  }
0x6: {  	s19 =	simm.s32 $0x7;
	s29 =	simm.s32 $0x7800;
	s30 =	simm.s32 $0x6  }
0x7: {  	s31 =	simm.s32 $0x1;
	[smem:$0x7FF] =	sst s5;
	s3 =	smul.u32 $0x500, s12  }
0x8: {  	s6 =	sadd.s32 $0x1800, s0;
	s10 =	sand.u32 $0x1, s7;
	s11 =	smul.u32 $0x4E000, s12  }
0x9: {  	s7 =	sadd.s32 $0xB800, s0;
	s14 =	sadd.s32 $0xE000, s0;
	s21 =	smul.u32 $0x50, s12  }
0xa: {  	s15 =	sadd.s32 $0x35200, s0;
	s23 =	smul.u32 $0x2700, s12;
	p0 =	sne.s32 s12, $0xF  }
0xb: {  	s28 =	sshll.u32 s12, $0x6;
	_ =	strace $0x80000047;
	[dreg:$0x6] =	wrdreg s15  }
0xc: {  	p2 =	seq.s32 s12, $0xF;
	s9 =	ssub.s32 $0x2, s10;
	[dreg:$0x5] =	wrdreg s14  }
0xd: {  	p1 =	sne.s32 s10, $0x0;
	s8 =	sadd.s32 s3, s0;
	s20 =	sshrl.u32 s9, $0x1  }
0xe: {  	s16 =	sadd.s32 s6, s3;
	s22 =	sshrl.u32 s11, $0x2;
	s11 =	sadd.s32 $0x138000, s4  }
0xf: {  	s13 =	sadd.s32 $0x10, s21;
	s24 =	sadd.s32 s15, s23;
	s21 =	sor.u32 $0x1C07, s28  }
0x10: {  	s0 =	ssub.s32 s9, s20;
	s8 =	sadd.s32 $0x6800, s8;
	s3 =	sadd.s32 s22, s4  }
0x11: {  	[dreg:$0x9] =	wrdreg s24;
	s25 =	sshll.u32 s13, $0x4;
	s17 =	smov.u32 s16  }
0x12: {  	s9 =	sadd.s32 $0x110, s16;
	s20 =	simm.s32 $0x2800;
	[dreg:$0x8] =	wrdreg s11  }
.Ltmp0:
0x13: {  	s24 =	simm.s32 $0x7D;
	[dreg:$0x7] =	wrdreg s8;
	(pc) =	sbr.rel .LBB2_1-.Ltmp0, $4  }
0x14: {  	s8 =	sadd.s32 s14, s23;
	s0 =	smax.u32 s0, $0x1;
	s26 =	sadd.s32 s6, s25  }
0x15: {  	s22 =	sshrl.u32 s3, $0x3;
	s23 =	sshrl.u32 @!p0 s11, $0x3;
	[dreg:$0xa] =	wrdreg s8  }
0x16: {  	s25 =	simm.s32 $0x3800;
	s3 =	simm.s32 $0x0;
	[dreg:$0xb] =	wrdreg s0  }
0x17: {  	[dreg:$0xc] =	wrdreg s26;
	s26 =	simm.s32 $0x3000;
	s0 =	simm.s32 $0x2  }
.LBB2_18:
0x18: {  	s10 =	rddreg [dreg:$0x8]  }
0x19: {  	s8 =	sadd.s32 $0x27000, s8;
	s10 =	sshrl.u32 s10, $0x3  }
0x1a: {  	[hbm:s8], [sflag:s21] =	dma.local [spmem:s10], $0x100  }
0x1b: {  	_ =	swait.ge [sflag:s19], $0x100  }
0x1c: {  	[sflag:s19] =	ssyncset.done $0x0  }
0x1d: {  	[sflag:s19] =	ssyncadd.s32 $0xFFFFFF00  }
.LBB2_19:
0x1e: {  	s3 =	sadd.s32 $0x1, s3;
	s8 =	rddreg [dreg:$0xb]  }
0x1f: {  	p3 =	sne.s32 s3, s8  }
.Ltmp1:
0x20: {  	_ = 	snop;
	(pc) =	sbr.rel @!p3 .LBB2_20-.Ltmp1, $1  }
0x21: {  	_ =	sdelay $0x3  }
.LBB2_1:
0x22: {  	s8 =	rddreg [dreg:$0x7]  }
0x23: {  	[tilespmem:s5], [sflag:$0x7] =	stream.linear.gather [hbm4b:s8+s5], $0x2800, $0x38;
	[tilespmem:$0x1F080] =	vst v63  }
0x24: {  	_ =	swait.ge [sflag:s19], $0x2800  }
0x25: {  	[sflag:s19] =	ssyncset.done $0x0  }
0x26: {  	[sflag:s19] =	ssyncadd.s32 $0xFFFFD800  }
0x27: {  	[tilespmem:s20], [sflag:$0x7] =	stream.linear.gather [hbm4b:s17+s5], $0x800, $0x38;
	[tilespmem:$0x1F080] =	vst v63  }
0x28: {  	_ =	swait.ge [sflag:s19], $0x800  }
0x29: {  	[sflag:s19] =	ssyncset.done $0x0  }
0x2a: {  	[sflag:s19] =	ssyncadd.s32 $0xFFFFF800  }
0x2b: {  	[spmem:s22], [sflag:s21] =	dma.local [hbm:s7], $0x2700  }
0x2c: {  	_ =	swait.ge [sflag:s19], $0x2700  }
0x2d: {  	[sflag:s19] =	ssyncset.done $0x0  }
0x2e: {  	s8 =	simm.s32 @!p0 $0x7;
	[sflag:s19] =	ssyncadd.s32 $0xFFFFD900  }
0x2f: {  	[spmem:s23], [sflag:s21] =	dma.local @!p0 [hbm:s7], $0x100  }
.Ltmp2:
0x30: {  	_ =	swait.ge @!p0 [sflag:s8], $0x100;
	(pc) =	sbr.rel @p1 .LBB2_10-.Ltmp2, $3  }
0x31: {  	[sflag:s8] =	ssyncset.done @!p0 $0x0  }
0x32: {  	[sflag:s8] =	ssyncadd.s32 @!p0 $0xFFFFFF00  }
0x33: {  	[bflag:$0x0] =	sbarrier.arrive $0xFFFF;
	_ =	sdelay $0x1  }
0x34: {  	[tilespmem:s25], [sflag:$0x1] =	stream.indirect.gather [hbm4b:s1+s24], $0x80, s5, s24, $0xb8;
	[tilespmem:$0x1F080] =	vst v63  }
0x35: {  	s8 =	rddreg [dreg:$0xc]  }
0x36: {  	[tilespmem:s26], [sflag:$0x4] =	stream.linear.gather [hbm4b:s8+s5], $0x800, $0x38;
	[tilespmem:$0x1F080] =	vst v63  }
0x37: {  	s28 =	simm.s32 $0x80  }
0x38: {  	[tilespmem:s29], [sflag:$0x2] =	stream.indirect.gather [hbm4b:s1+s24], $0x80, s28, s24, $0xb8;
	[tilespmem:$0x1F080] =	vst v63  }
.Ltmp3:
0x39: {  	s14 =	simm.s32 $0x1;
	(pc) =	sbr.rel .LBB2_3-.Ltmp3, $4  }
0x3a: {  	_ =	swait.ge [sflag:s14], $0x3E80  }
0x3b: {  	s15 =	simm.s32 $0x2;
	[sflag:s14] =	ssyncset.done $0x0  }
0x3c: {  	s18 =	smov.u32 s9;
	s8 =	simm.s32 $0x100;
	[sflag:s14] =	ssyncadd.s32 $0xFFFFC180  }
0x3d: {  	[spmem:s4] =	stream.indirect.scatter.add.f32 [tilespmem:s25], [sflag:$0x5], $0x80, s20, s24, $0xb8;
	[tilespmem:$0x1F080] =	vst v63  }
.LBB2_5:
0x3e: {  	s11 =	sadd.s32 s14, s13  }
0x3f: {  	s11 =	sshll.u32 s11, $0x4  }
0x40: {  	s11 =	sadd.s32 s6, s11  }
.LBB2_7:
0x41: {  	[tilespmem:s20], [sflag:$0x3] =	stream.linear.gather [hbm4b:s11+s5], $0x800, $0x38;
	[tilespmem:$0x1F080] =	vst v63  }
.LBB2_8:
0x42: {  	s11 =	sand.u32 $0xF, s28  }
0x43: {  	p4 =	sne.s32 s11, $0x0  }
0x44: {  	s10 =	sand.u32 @!p4 $0x1, s10  }
0x45: {  	p5 =	seq.s32 @!p4 s10, $0x1  }
0x46: {  	s10 =	simm.s32 @!p4 $0x4;
	p5 =	por !p5, p4  }
0x47: {  	s10 =	simm.s32 @p5 $0x3  }
0x48: {  	p5 =	seq.s32 s15, $0x50;
	_ =	swait.ge @!p4 [sflag:s10], $0x800  }
0x49: {  	p6 =	por !p3, p5;
	p3 =	por p3, p5;
	[sflag:s10] =	ssyncset.done @!p4 $0x0  }
0x4a: {  	s16 =	simm.s32 @!p6 $0x7800;
	[sflag:s10] =	ssyncadd.s32 @!p4 $0xFFFFF800;
	s10 =	simm.s32 @!p6 $0x7D  }
0x4b: {  	[tilespmem:s16], [sflag:$0x2] =	stream.indirect.gather @!p6 [hbm4b:s1+s10], $0x80, s8, s10, $0xb8;
	[tilespmem:$0x1F080] =	vst v63  }
0x4c: {  	s10 =	sand.u32 $0x1, s28;
	s16 =	simm.s32 @!p3 $0x7D;
	s28 =	simm.s32 @!p3 $0x3800  }
0x4d: {  	[tilespmem:s28], [sflag:$0x1] =	stream.indirect.gather @!p3 [hbm4b:s1+s16], $0x80, s8, s16, $0xb8;
	[tilespmem:$0x1F080] =	vst v63  }
0x4e: {  	p3 =	sne.s32 @!p5 s10, $0x0  }
0x4f: {  	p3 =	por p5, p3  }
0x50: {  	s10 =	sshll.u32 s12, $0xB;
	s12 =	sshll.u32 s11, $0x7;
	_ =	swait.ge @p3 [sflag:s0], $0x3E80  }
0x51: {  	s10 =	sor.u32 @p3 s12, s10;
	[sflag:s0] =	ssyncset.done @p3 $0x0  }
0x52: {  	s10 =	sadd.s32 @p3 $0x2800, s10;
	[sflag:s0] =	ssyncadd.s32 @p3 $0xFFFFC180  }
0x53: {  	[spmem:s4] =	stream.indirect.scatter.add.f32 @p3 [tilespmem:s29], [sflag:$0x6], $0x80, s10, s24, $0xb8;
	[tilespmem:$0x1F080] =	vst v63  }
0x54: {  	_ =	swait.ge @!p3 [sflag:s31], $0x3E80  }
0x55: {  	s10 =	sor.u32 @!p3 s12, s10;
	[sflag:s31] =	ssyncset.done @!p3 $0x0  }
0x56: {  	s15 =	sadd.s32 $0x1, s15;
	s10 =	sadd.s32 @!p3 $0x2800, s10;
	[sflag:s31] =	ssyncadd.s32 @!p3 $0xFFFFC180  }
0x57: {  	[spmem:s4] =	stream.indirect.scatter.add.f32 @!p3 [tilespmem:s25], [sflag:$0x5], $0x80, s10, s24, $0xb8;
	[tilespmem:$0x1F080] =	vst v63  }
0x58: {  	p3 =	sne.s32 s15, $0x51  }
.Ltmp4:
0x59: {  	_ = 	snop;
	(pc) =	sbr.rel @!p3 .LBB2_9-.Ltmp4, $2  }
0x5a: {  	_ =	sdelay $0x2  }
0x5b: {  	s18 =	sadd.s32 $0x10, s18;
	s14 =	sadd.s32 $0x1, s14;
	s8 =	sadd.s32 $0x80, s8  }
.LBB2_3:
0x5c: {  	s28 =	sadd.s32 $0xFFFFFFFF, s15  }
0x5d: {  	s12 =	sand.u32 $0x4F, s28  }
0x5e: {  	s10 =	sand.u32 $0x1, s15;
	p4 =	sne.s32 s12, $0x0  }
.Ltmp5:
0x5f: {  	s11 =	simm.s32 $0x6;
	p3 =	seq.s32 s10, $0x1;
	(pc) =	sbr.rel @p4 .LBB2_8-.Ltmp5, $4  }
0x60: {  	s11 =	simm.s32 @!p3 $0x5  }
0x61: {  	_ =	swait.ge [sflag:s11], $0x3E80  }
0x62: {  	s10 =	sshrl.u32 s28, $0x4;
	[sflag:s11] =	ssyncset.done $0x0  }
0x63: {  	s12 =	sand.u32 $0x1, s10;
	[sflag:s11] =	ssyncadd.s32 $0xFFFFC180  }
0x64: {  	p4 =	seq.s32 s12, $0x0  }
.Ltmp6:
0x65: {  	_ = 	snop;
	(pc) =	sbr.rel @!p4 .LBB2_5-.Ltmp6, $1  }
0x66: {  	_ =	sdelay $0x3  }
.Ltmp7:
0x67: {  	(pc) =	sbr.rel @p4 .LBB2_8-.Ltmp7, $4  }
.Ltmp8:
0x68: {  	(pc) =	sbr.rel @!p4 .LBB2_7-.Ltmp8, $4  }
0x69: {  	_ = 	snop  }
0x6a: {  	[tilespmem:s26], [sflag:$0x4] =	stream.linear.gather [hbm4b:s18+s5], $0x800, $0x38;
	[tilespmem:$0x1F080] =	vst v63  }
0x6b: {  	s11 =	smov.u32 s18  }
0x6c: {  	_ = 	snop  }
.LBB2_10:
0x6d: {  	[tilespmem:s25], [sflag:$0x1] =	stream.indirect.gather [hbm4b:s2+s24], $0x80, s5, s24, $0xb8;
	[tilespmem:$0x1F080] =	vst v63  }
0x6e: {  	s8 =	rddreg [dreg:$0xc]  }
0x6f: {  	[tilespmem:s26], [sflag:$0x4] =	stream.linear.gather [hbm4b:s8+s5], $0x800, $0x38;
	[tilespmem:$0x1F080] =	vst v63  }
0x70: {  	s28 =	simm.s32 $0x80  }
0x71: {  	[tilespmem:s29], [sflag:$0x2] =	stream.indirect.gather [hbm4b:s2+s24], $0x80, s28, s24, $0xb8;
	[tilespmem:$0x1F080] =	vst v63  }
.Ltmp9:
0x72: {  	s14 =	simm.s32 $0x1;
	(pc) =	sbr.rel .LBB2_11-.Ltmp9, $4  }
0x73: {  	_ =	swait.ge [sflag:s14], $0x3E80  }
0x74: {  	s15 =	simm.s32 $0x2;
	[sflag:s14] =	ssyncset.done $0x0  }
0x75: {  	s18 =	smov.u32 s9;
	s8 =	simm.s32 $0x100;
	[sflag:s14] =	ssyncadd.s32 $0xFFFFC180  }
0x76: {  	[spmem:s4] =	stream.indirect.scatter.add.f32 [tilespmem:s25], [sflag:$0x5], $0x80, s20, s24, $0xb8;
	[tilespmem:$0x1F080] =	vst v63  }
.LBB2_13:
0x77: {  	s11 =	sadd.s32 s14, s13  }
0x78: {  	s11 =	sshll.u32 s11, $0x4  }
0x79: {  	s11 =	sadd.s32 s6, s11  }
.LBB2_15:
0x7a: {  	[tilespmem:s20], [sflag:$0x3] =	stream.linear.gather [hbm4b:s11+s5], $0x800, $0x38;
	[tilespmem:$0x1F080] =	vst v63  }
.LBB2_16:
0x7b: {  	s11 =	sand.u32 $0xF, s28  }
0x7c: {  	p4 =	sne.s32 s11, $0x0  }
0x7d: {  	s10 =	sand.u32 @!p4 $0x1, s10  }
0x7e: {  	p5 =	seq.s32 @!p4 s10, $0x1  }
0x7f: {  	s10 =	simm.s32 @!p4 $0x4;
	p5 =	por !p5, p4  }
0x80: {  	s10 =	simm.s32 @p5 $0x3  }
0x81: {  	p5 =	seq.s32 s15, $0x50;
	_ =	swait.ge @!p4 [sflag:s10], $0x800  }
0x82: {  	p6 =	por !p3, p5;
	p3 =	por p3, p5;
	[sflag:s10] =	ssyncset.done @!p4 $0x0  }
0x83: {  	s16 =	simm.s32 @!p6 $0x7800;
	[sflag:s10] =	ssyncadd.s32 @!p4 $0xFFFFF800;
	s10 =	simm.s32 @!p6 $0x7D  }
0x84: {  	[tilespmem:s16], [sflag:$0x2] =	stream.indirect.gather @!p6 [hbm4b:s2+s10], $0x80, s8, s10, $0xb8;
	[tilespmem:$0x1F080] =	vst v63  }
0x85: {  	s10 =	sand.u32 $0x1, s28;
	s16 =	simm.s32 @!p3 $0x7D;
	s28 =	simm.s32 @!p3 $0x3800  }
0x86: {  	[tilespmem:s28], [sflag:$0x1] =	stream.indirect.gather @!p3 [hbm4b:s2+s16], $0x80, s8, s16, $0xb8;
	[tilespmem:$0x1F080] =	vst v63  }
0x87: {  	p3 =	sne.s32 @!p5 s10, $0x0  }
0x88: {  	p3 =	por p5, p3  }
0x89: {  	s10 =	sshll.u32 s12, $0xB;
	s12 =	sshll.u32 s11, $0x7;
	_ =	swait.ge @p3 [sflag:s0], $0x3E80  }
0x8a: {  	s10 =	sor.u32 @p3 s12, s10;
	[sflag:s0] =	ssyncset.done @p3 $0x0  }
0x8b: {  	s10 =	sadd.s32 @p3 $0x2800, s10;
	[sflag:s0] =	ssyncadd.s32 @p3 $0xFFFFC180  }
0x8c: {  	[spmem:s4] =	stream.indirect.scatter.add.f32 @p3 [tilespmem:s29], [sflag:$0x6], $0x80, s10, s24, $0xb8;
	[tilespmem:$0x1F080] =	vst v63  }
0x8d: {  	_ =	swait.ge @!p3 [sflag:s31], $0x3E80  }
0x8e: {  	s10 =	sor.u32 @!p3 s12, s10;
	[sflag:s31] =	ssyncset.done @!p3 $0x0  }
0x8f: {  	s15 =	sadd.s32 $0x1, s15;
	s10 =	sadd.s32 @!p3 $0x2800, s10;
	[sflag:s31] =	ssyncadd.s32 @!p3 $0xFFFFC180  }
0x90: {  	[spmem:s4] =	stream.indirect.scatter.add.f32 @!p3 [tilespmem:s25], [sflag:$0x5], $0x80, s10, s24, $0xb8;
	[tilespmem:$0x1F080] =	vst v63  }
0x91: {  	p3 =	sne.s32 s15, $0x51  }
.Ltmp10:
0x92: {  	_ = 	snop;
	(pc) =	sbr.rel @!p3 .LBB2_17-.Ltmp10, $2  }
0x93: {  	_ =	sdelay $0x2  }
0x94: {  	s18 =	sadd.s32 $0x10, s18;
	s14 =	sadd.s32 $0x1, s14;
	s8 =	sadd.s32 $0x80, s8  }
.LBB2_11:
0x95: {  	s28 =	sadd.s32 $0xFFFFFFFF, s15  }
0x96: {  	s12 =	sand.u32 $0x4F, s28  }
0x97: {  	s10 =	sand.u32 $0x1, s15;
	p4 =	sne.s32 s12, $0x0  }
.Ltmp11:
0x98: {  	s11 =	simm.s32 $0x6;
	p3 =	seq.s32 s10, $0x1;
	(pc) =	sbr.rel @p4 .LBB2_16-.Ltmp11, $4  }
0x99: {  	s11 =	simm.s32 @!p3 $0x5  }
0x9a: {  	_ =	swait.ge [sflag:s11], $0x3E80  }
0x9b: {  	s10 =	sshrl.u32 s28, $0x4;
	[sflag:s11] =	ssyncset.done $0x0  }
0x9c: {  	s12 =	sand.u32 $0x1, s10;
	[sflag:s11] =	ssyncadd.s32 $0xFFFFC180  }
0x9d: {  	p4 =	seq.s32 s12, $0x0  }
.Ltmp12:
0x9e: {  	_ = 	snop;
	(pc) =	sbr.rel @!p4 .LBB2_13-.Ltmp12, $1  }
0x9f: {  	_ =	sdelay $0x3  }
.Ltmp13:
0xa0: {  	(pc) =	sbr.rel @p4 .LBB2_16-.Ltmp13, $4  }
.Ltmp14:
0xa1: {  	(pc) =	sbr.rel @!p4 .LBB2_15-.Ltmp14, $4  }
0xa2: {  	_ = 	snop  }
0xa3: {  	[tilespmem:s26], [sflag:$0x4] =	stream.linear.gather [hbm4b:s18+s5], $0x800, $0x38;
	[tilespmem:$0x1F080] =	vst v63  }
0xa4: {  	s11 =	smov.u32 s18  }
0xa5: {  	_ = 	snop  }
.LBB2_9:
0xa6: {  	_ =	swait.ge [sflag:s30], $0x3E80  }
0xa7: {  	[sflag:s30] =	ssyncset.done $0x0  }
0xa8: {  	[sflag:s30] =	ssyncadd.s32 $0xFFFFC180  }
0xa9: {  	[bflag:$0x0] =	sbarrier.arrive $0xFFFF  }
0xaa: {  	s8 =	rddreg [dreg:$0xa]  }
0xab: {  	[hbm:s8], [sflag:s21] =	dma.local [spmem:s22], $0x2700  }
.Ltmp15:
0xac: {  	_ = 	snop;
	(pc) =	sbr.rel @p2 .LBB2_18-.Ltmp15, $4  }
.Ltmp16:
0xad: {  	_ = 	snop;
	(pc) =	sbr.rel @!p2 .LBB2_19-.Ltmp16, $4  }
0xae: {  	_ =	swait.ge [sflag:s19], $0x2700  }
0xaf: {  	[sflag:s19] =	ssyncset.done $0x0  }
0xb0: {  	s8 =	rddreg [dreg:$0x5];
	[sflag:s19] =	ssyncadd.s32 $0xFFFFD900  }
0xb1: {  	_ = 	snop  }
.LBB2_17:
0xb2: {  	_ =	swait.ge [sflag:s30], $0x3E80  }
0xb3: {  	[sflag:s30] =	ssyncset.done $0x0  }
0xb4: {  	[sflag:s30] =	ssyncadd.s32 $0xFFFFC180  }
0xb5: {  	[bflag:$0x0] =	sbarrier.arrive $0xFFFF  }
0xb6: {  	s8 =	rddreg [dreg:$0x9]  }
0xb7: {  	[hbm:s8], [sflag:s21] =	dma.local [spmem:s22], $0x2700  }
.Ltmp17:
0xb8: {  	_ = 	snop;
	(pc) =	sbr.rel @p0 .LBB2_19-.Ltmp17, $4  }
.Ltmp18:
0xb9: {  	_ = 	snop;
	(pc) =	sbr.rel @!p0 .LBB2_18-.Ltmp18, $4  }
0xba: {  	_ =	swait.ge [sflag:s19], $0x2700  }
0xbb: {  	[sflag:s19] =	ssyncset.done $0x0  }
0xbc: {  	s8 =	rddreg [dreg:$0x6];
	[sflag:s19] =	ssyncadd.s32 $0xFFFFD900  }
0xbd: {  	_ = 	snop  }
.LBB2_20:
0xbe: {  	_ =	sfence.sel $0x180000  }
0xbf: {  	[bflag:$0x0] =	sbarrier.arrive $0xFFFF  }
0xc0: {  	_ =	strace $0x90000047  }
0xc1: {  	s0 =	stileid.u32;
	[bflag:$0x2] =	sbarrier.arrive $0xFFFF  }
0xc2: {  	p0 =	sne.s32 s0, $0x0;
	s0 =	rddreg [dreg:$0x4]  }
0xc3: {  	s0 =	sadd.s32 @!p0 $0x100000, s0  }
0xc4: {  	[sflag:s0] =	ssyncadd.tile.s32 @!p0 $0x1;
	_ =	shalt  }
.Lfunc_end2:
_tile_overlayer_lowered:
.L_overlay_start_2:
0xc5: {  	(tag) =	ssettag $0x2  }
0xc6: {  	s0 =	rddreg [dreg:$0x0];
	s2 =	stileid.u32  }
0xc7: {  	s1 =	rddreg [dreg:$0x1];
	p0 =	sne.s32 s2, $0x0  }
0xc8: {  	s3 =	rddreg [dreg:$0x2];
	[bflag:$0x3] =	sbarrier.arrive $0xFFFF;
	s2 =	simm.s32 @!p0 $0x1C07  }
0xc9: {  	[timem:s3], [sflag:s2] =	dma.local @!p0 [hbm:s0], s1  }
0xca: {  	s0 =	simm.s32 @!p0 $0x7  }
0xcb: {  	_ =	swait.ge @!p0 [sflag:s0], s1  }
0xcc: {  	s1 =	ssub.s32 @!p0 $0x0, s1;
	[sflag:s0] =	ssyncset.done @!p0 $0x0  }
0xcd: {  	[sflag:s0] =	ssyncadd.s32 @!p0 s1  }
0xce: {  	[bflag:$0x3] =	sbarrier.arrive $0xFFFF  }
0xcf: {  	_ =	shalt  }

</sc_bundles>
